<compile_context>
chip_gen: v7x
topology: tpu7x:2x2x1
jax: 0.10.2.dev20260603
libtpu: 0.0.44.dev20260713+nightly
codegen_flags: <defaults>
</compile_context>

<pallas_src>
import functools

import jax
import jax.numpy as jnp
from jax import lax
from jax.experimental import pallas as pl
from jax.experimental.pallas import tpu as pltpu
from jax.experimental.pallas import tpu_sc as plsc

M = 18432
N_CODES = 8192
DIM = 256
BETA = 0.25

BM = 1024
BN = 2048
N_CHUNKS = N_CODES // BN
GPC = BN // 128


def _argmin_body(xn_ref, en_ref, xm2_ref, ebf_ref, idx_ref, dsum_ref):
    xm2 = xm2_ref[...]
    xn = xn_ref[...]

    best = jnp.full((BM, 128), jnp.inf, dtype=jnp.float32)
    bjf = jnp.zeros((BM, 128), dtype=jnp.float32)
    for c in range(N_CHUNKS):
        ebf = ebf_ref[pl.ds(c * BN, BN), :]
        nmm2 = lax.dot_general(
            xm2, ebf, (((1,), (1,)), ((), ())),
            preferred_element_type=jnp.float32)
        for g in range(GPC):
            en_g = en_ref[pl.ds(c * BN + g * 128, 128)]
            dg = (xn + en_g[None, :]) + nmm2[:, g * 128:(g + 1) * 128]
            m = dg < best
            best = jnp.where(m, dg, best)
            bjf = jnp.where(m, float(c * BN + g * 128), bjf)

    lanef = lax.broadcasted_iota(jnp.int32, (BM, 128), 1).astype(jnp.float32)
    fbest = jnp.min(best, axis=1)
    bidx = jnp.min(jnp.where(best == fbest[:, None], bjf + lanef, jnp.inf),
                   axis=1).astype(jnp.int32)

    idx_ref[...] = bidx

    @pl.when(pl.program_id(0) == 0)
    def _():
        dsum_ref[...] = jnp.zeros((1, 1), jnp.float32)

    dsum_ref[...] += jnp.sum(fbest).reshape(1, 1)


def _tc_argmin(xn, en, xbf, ebf):
    grid = (M // BM,)
    return pl.pallas_call(
        _argmin_body,
        grid=grid,
        in_specs=[
            pl.BlockSpec((BM, 1), lambda i: (i, 0)),
            pl.BlockSpec((N_CODES,), lambda i: (0,)),
            pl.BlockSpec((BM, DIM), lambda i: (i, 0)),
            pl.BlockSpec((N_CODES, DIM), lambda i: (0, 0)),
        ],
        out_specs=[
            pl.BlockSpec((BM,), lambda i: (i,)),
            pl.BlockSpec((1, 1), lambda i: (0, 0)),
        ],
        out_shape=[
            jax.ShapeDtypeStruct((M,), jnp.int32),
            jax.ShapeDtypeStruct((1, 1), jnp.float32),
        ],
    )(xn, en, xbf, ebf)


_NW = 32
_BPW = M // _NW
_CH = 288


@functools.cache
def _sc_gather_kernel():
    @functools.partial(
        pl.kernel,
        out_type=jax.ShapeDtypeStruct((M, DIM), jnp.float32),
        mesh=plsc.VectorSubcoreMesh(core_axis_name="c", subcore_axis_name="s"),
        scratch_types=[
            pltpu.VMEM((_BPW,), jnp.int32),
            pltpu.VMEM((_CH, DIM), jnp.float32),
            pltpu.SemaphoreType.DMA,
        ],
    )
    def _sc_gather(emb_hbm, idx_hbm, out_hbm, idx_v, rows_v, sem):
        wid = lax.axis_index("s") * 2 + lax.axis_index("c")
        base = wid * _BPW
        pltpu.sync_copy(idx_hbm.at[pl.ds(base, _BPW)], idx_v)
        for c in range(_BPW // _CH):
            pltpu.async_copy(
                emb_hbm.at[idx_v.at[pl.ds(c * _CH, _CH)]], rows_v, sem).wait()
            pltpu.sync_copy(rows_v, out_hbm.at[pl.ds(base + c * _CH, _CH)])

    return _sc_gather


def kernel(x, embeddings):
    xf = x.reshape(-1, DIM)
    xn = jnp.sum(xf ** 2, axis=1, keepdims=True)
    en = jnp.sum(embeddings ** 2, axis=1)
    xm2 = (xf * -2.0).astype(jnp.bfloat16)
    ebf = embeddings.astype(jnp.bfloat16)
    idx, dsum = _tc_argmin(xn, en, xm2, ebf)
    quantized = _sc_gather_kernel()(embeddings, idx)
    loss = (BETA / (M * DIM)) * dsum[0, 0]
    return quantized.reshape(x.shape), loss

# --- scband reference (transcript-rebuilt; emitter-appended) ---
"""Pipeline reference for scband-vector-quantizer-1271310320158 (READ-ONLY COPY).

The authoritative reference and input builder live on the scoring server;
editing this copy changes nothing except your own understanding.
"""

import jax, jax.numpy as jnp
import numpy as np

N_EMBEDS = 8192
EMBED_DIM = 256
BETA = 0.25


def setup_inputs(seed: int = 0) -> dict:
    key = jax.random.key(seed)
    k1, k2 = jax.random.split(key)
    x = jax.random.normal(k1, (18432, EMBED_DIM), dtype=jnp.float32)
    embeddings = jax.random.normal(k2, (N_EMBEDS, EMBED_DIM), dtype=jnp.float32)
    return {"x": x, "embeddings": embeddings}


def reference(x, embeddings):
    in_shape = x.shape
    xf = x.reshape(-1, EMBED_DIM)
    distances = (
        jnp.sum(xf ** 2, axis=1, keepdims=True)
        + jnp.sum(embeddings ** 2, axis=1)
        - 2.0 * jnp.matmul(xf, embeddings.T)
    )
    encoding_indices = jnp.argmin(distances, axis=1)
    quantized = jnp.take(embeddings, encoding_indices, axis=0).reshape(in_shape)
    commitment_loss = BETA * jnp.mean((jax.lax.stop_gradient(quantized) - xf) ** 2)
    quantized = xf.reshape(in_shape) + jax.lax.stop_gradient(quantized - xf.reshape(in_shape))
    return (quantized, commitment_loss)

if __name__ == "__main__":
    import jax
    _d = setup_inputs()
    print(jax.jit(kernel)(*tuple(_d.values())))

</pallas_src>

<mosaic_0001>
#map = affine_map<(d0, d1) -> (0, 0)>
#map1 = affine_map<(d0, d1) -> (0)>
module attributes {stable_mosaic.version = 14 : i64} {
  func.func @_sc_gather(%arg0: i32, %arg1: i32, %arg2: memref<8192x256xf32, #tpu.memory_space<hbm>>, %arg3: memref<18432xi32, #tpu.memory_space<hbm>>, %arg4: memref<18432x256xf32, #tpu.memory_space<hbm>>, %arg5: memref<576xi32, #tpu.memory_space<vmem>>, %arg6: memref<288x256xf32, #tpu.memory_space<vmem>>, %arg7: memref<!tpu.dma_semaphore, #tpu.memory_space<semaphore_mem>>) attributes {dimension_semantics = [#tpu.dimension_semantics<core_parallel>, #tpu.dimension_semantics<subcore_parallel>], iteration_bounds = array<i64: 2, 16>, scalar_prefetch = 0 : i64, scratch_operands = 3 : i64, tpu.core_type = #tpu.core_type<sc_vector_subcore>, window_params = [{transform_indices = #map}, {transform_indices = #map1}, {transform_indices = #map}]} {
    %mul3A = arith.constant 2 : i32
    %mul3A_0 = arith.muli %arg1, %mul3A : i32
    %add3A = arith.addi %mul3A_0, %arg0 : i32
    %mul3A_1 = arith.constant 576 : i32
    %mul3A_2 = arith.muli %add3A, %mul3A_1 : i32
    "tpu.region"() ({
      %run_scoped3A = tpu.sem_alloc : memref<!tpu.dma_semaphore, #tpu.memory_space<semaphore_mem>>
      %dma_start3A_25 = tpu.memref_slice %arg3[%mul3A_2] : memref<18432xi32, #tpu.memory_space<hbm>> -> memref<576xi32, #tpu.memory_space<hbm>>
      %dma_start3A_26 = tpu.memref_slice %arg3[%mul3A_2] : memref<18432xi32, #tpu.memory_space<hbm>> -> memref<576xi32, #tpu.memory_space<hbm>>
      tpu.enqueue_dma source(%dma_start3A_26 : memref<576xi32, #tpu.memory_space<hbm>>) target(%arg5 : memref<576xi32, #tpu.memory_space<vmem>>) target_semaphore(%run_scoped3A : memref<!tpu.dma_semaphore, #tpu.memory_space<semaphore_mem>>)
      %dma_wait3A_27 = tpu.memref_slice %arg3[%mul3A_2] : memref<18432xi32, #tpu.memory_space<hbm>> -> memref<576xi32, #tpu.memory_space<hbm>>
      %dma_wait3A_28 = tpu.memref_slice %arg3[%mul3A_2] : memref<18432xi32, #tpu.memory_space<hbm>> -> memref<576xi32, #tpu.memory_space<hbm>>
      tpu.wait_dma2 semaphore(%run_scoped3A : memref<!tpu.dma_semaphore, #tpu.memory_space<semaphore_mem>>) src(%dma_wait3A_28 : memref<576xi32, #tpu.memory_space<hbm>>) dst(%arg5 : memref<576xi32, #tpu.memory_space<vmem>>)
      tpu.yield
    }) : () -> ()
    %dma_start3A = arith.constant 0 : i32
    %dma_start3A_3 = tpu.memref_slice %arg5[%dma_start3A] : memref<576xi32, #tpu.memory_space<vmem>> -> memref<288xi32, #tpu.memory_space<vmem>>
    %dma_start3A_4 = arith.constant 0 : i32
    %dma_start3A_5 = arith.constant 0 : i32
    %dma_start3A_6 = tpu.memref_slice %arg2[%dma_start3A_4, %dma_start3A_5] : memref<8192x256xf32, #tpu.memory_space<hbm>> -> memref<8192x256xf32, #tpu.memory_space<hbm>>
    tpu.enqueue_indirect_dma source(%dma_start3A_6 : memref<8192x256xf32, #tpu.memory_space<hbm>>) target(%arg6 : memref<288x256xf32, #tpu.memory_space<vmem>>) offsets(%dma_start3A_3 : memref<288xi32, #tpu.memory_space<vmem>>) semaphore(%arg7 : memref<!tpu.dma_semaphore, #tpu.memory_space<semaphore_mem>>)
    %dma_wait3A = arith.constant 0 : i32
    %dma_wait3A_7 = tpu.memref_slice %arg5[%dma_wait3A] : memref<576xi32, #tpu.memory_space<vmem>> -> memref<288xi32, #tpu.memory_space<vmem>>
    %dma_wait3A_8 = arith.constant 0 : i32
    %dma_wait3A_9 = arith.constant 0 : i32
    %dma_wait3A_10 = tpu.memref_slice %arg2[%dma_wait3A_8, %dma_wait3A_9] : memref<8192x256xf32, #tpu.memory_space<hbm>> -> memref<8192x256xf32, #tpu.memory_space<hbm>>
    tpu.wait_indirect_dma semaphore(%arg7 : memref<!tpu.dma_semaphore, #tpu.memory_space<semaphore_mem>>) src(%dma_wait3A_10 : memref<8192x256xf32, #tpu.memory_space<hbm>>) dst(%arg6 : memref<288x256xf32, #tpu.memory_space<vmem>>)
    %add3A_11 = arith.constant 0 : i32
    %add3A_12 = arith.addi %mul3A_2, %add3A_11 : i32
    "tpu.region"() ({
      %run_scoped3A = tpu.sem_alloc : memref<!tpu.dma_semaphore, #tpu.memory_space<semaphore_mem>>
      %dma_start3A_25 = arith.constant 0 : i32
      %dma_start3A_26 = tpu.memref_slice %arg4[%add3A_12, %dma_start3A_25] : memref<18432x256xf32, #tpu.memory_space<hbm>> -> memref<288x256xf32, #tpu.memory_space<hbm>>
      %dma_start3A_27 = arith.constant 0 : i32
      %dma_start3A_28 = tpu.memref_slice %arg4[%add3A_12, %dma_start3A_27] : memref<18432x256xf32, #tpu.memory_space<hbm>> -> memref<288x256xf32, #tpu.memory_space<hbm>>
      tpu.enqueue_dma source(%arg6 : memref<288x256xf32, #tpu.memory_space<vmem>>) target(%dma_start3A_28 : memref<288x256xf32, #tpu.memory_space<hbm>>) target_semaphore(%run_scoped3A : memref<!tpu.dma_semaphore, #tpu.memory_space<semaphore_mem>>)
      %dma_wait3A_29 = arith.constant 0 : i32
      %dma_wait3A_30 = tpu.memref_slice %arg4[%add3A_12, %dma_wait3A_29] : memref<18432x256xf32, #tpu.memory_space<hbm>> -> memref<288x256xf32, #tpu.memory_space<hbm>>
      %dma_wait3A_31 = arith.constant 0 : i32
      %dma_wait3A_32 = tpu.memref_slice %arg4[%add3A_12, %dma_wait3A_31] : memref<18432x256xf32, #tpu.memory_space<hbm>> -> memref<288x256xf32, #tpu.memory_space<hbm>>
      tpu.wait_dma2 semaphore(%run_scoped3A : memref<!tpu.dma_semaphore, #tpu.memory_space<semaphore_mem>>) src(%arg6 : memref<288x256xf32, #tpu.memory_space<vmem>>) dst(%dma_wait3A_32 : memref<288x256xf32, #tpu.memory_space<hbm>>)
      tpu.yield
    }) : () -> ()
    %dma_start3A_13 = arith.constant 288 : i32
    %dma_start3A_14 = tpu.memref_slice %arg5[%dma_start3A_13] : memref<576xi32, #tpu.memory_space<vmem>> -> memref<288xi32, #tpu.memory_space<vmem>>
    %dma_start3A_15 = arith.constant 0 : i32
    %dma_start3A_16 = arith.constant 0 : i32
    %dma_start3A_17 = tpu.memref_slice %arg2[%dma_start3A_15, %dma_start3A_16] : memref<8192x256xf32, #tpu.memory_space<hbm>> -> memref<8192x256xf32, #tpu.memory_space<hbm>>
    tpu.enqueue_indirect_dma source(%dma_start3A_17 : memref<8192x256xf32, #tpu.memory_space<hbm>>) target(%arg6 : memref<288x256xf32, #tpu.memory_space<vmem>>) offsets(%dma_start3A_14 : memref<288xi32, #tpu.memory_space<vmem>>) semaphore(%arg7 : memref<!tpu.dma_semaphore, #tpu.memory_space<semaphore_mem>>)
    %dma_wait3A_18 = arith.constant 288 : i32
    %dma_wait3A_19 = tpu.memref_slice %arg5[%dma_wait3A_18] : memref<576xi32, #tpu.memory_space<vmem>> -> memref<288xi32, #tpu.memory_space<vmem>>
    %dma_wait3A_20 = arith.constant 0 : i32
    %dma_wait3A_21 = arith.constant 0 : i32
    %dma_wait3A_22 = tpu.memref_slice %arg2[%dma_wait3A_20, %dma_wait3A_21] : memref<8192x256xf32, #tpu.memory_space<hbm>> -> memref<8192x256xf32, #tpu.memory_space<hbm>>
    tpu.wait_indirect_dma semaphore(%arg7 : memref<!tpu.dma_semaphore, #tpu.memory_space<semaphore_mem>>) src(%dma_wait3A_22 : memref<8192x256xf32, #tpu.memory_space<hbm>>) dst(%arg6 : memref<288x256xf32, #tpu.memory_space<vmem>>)
    %add3A_23 = arith.constant 288 : i32
    %add3A_24 = arith.addi %mul3A_2, %add3A_23 : i32
    "tpu.region"() ({
      %run_scoped3A = tpu.sem_alloc : memref<!tpu.dma_semaphore, #tpu.memory_space<semaphore_mem>>
      %dma_start3A_25 = arith.constant 0 : i32
      %dma_start3A_26 = tpu.memref_slice %arg4[%add3A_24, %dma_start3A_25] : memref<18432x256xf32, #tpu.memory_space<hbm>> -> memref<288x256xf32, #tpu.memory_space<hbm>>
      %dma_start3A_27 = arith.constant 0 : i32
      %dma_start3A_28 = tpu.memref_slice %arg4[%add3A_24, %dma_start3A_27] : memref<18432x256xf32, #tpu.memory_space<hbm>> -> memref<288x256xf32, #tpu.memory_space<hbm>>
      tpu.enqueue_dma source(%arg6 : memref<288x256xf32, #tpu.memory_space<vmem>>) target(%dma_start3A_28 : memref<288x256xf32, #tpu.memory_space<hbm>>) target_semaphore(%run_scoped3A : memref<!tpu.dma_semaphore, #tpu.memory_space<semaphore_mem>>)
      %dma_wait3A_29 = arith.constant 0 : i32
      %dma_wait3A_30 = tpu.memref_slice %arg4[%add3A_24, %dma_wait3A_29] : memref<18432x256xf32, #tpu.memory_space<hbm>> -> memref<288x256xf32, #tpu.memory_space<hbm>>
      %dma_wait3A_31 = arith.constant 0 : i32
      %dma_wait3A_32 = tpu.memref_slice %arg4[%add3A_24, %dma_wait3A_31] : memref<18432x256xf32, #tpu.memory_space<hbm>> -> memref<288x256xf32, #tpu.memory_space<hbm>>
      tpu.wait_dma2 semaphore(%run_scoped3A : memref<!tpu.dma_semaphore, #tpu.memory_space<semaphore_mem>>) src(%arg6 : memref<288x256xf32, #tpu.memory_space<vmem>>) dst(%dma_wait3A_32 : memref<288x256xf32, #tpu.memory_space<hbm>>)
      tpu.yield
    }) : () -> ()
    return
  }
}

module attributes {stable_mosaic.version = 14 : i64} {
  func.func @_argmin_body(%arg0: i32, %arg1: memref<1024x1xf32, #tpu.memory_space<vmem>>, %arg2: memref<8192xf32, #tpu.memory_space<vmem>>, %arg3: memref<1024x256xbf16, #tpu.memory_space<vmem>>, %arg4: memref<8192x256xbf16, #tpu.memory_space<vmem>>, %arg5: memref<1024xi32, #tpu.memory_space<vmem>>, %arg6: memref<1x1xf32, #tpu.memory_space<vmem>>) attributes {dimension_semantics = [#tpu.dimension_semantics<arbitrary>], iteration_bounds = array<i64: 18>, scalar_prefetch = 0 : i64, scratch_operands = 0 : i64, tpu.core_type = #tpu.core_type<tc>, window_params = [{transform_indices = @transform_0, window_bounds = array<i64: 1024, 1>}, {pipeline_mode = #tpu.pipeline_mode<synchronous>, transform_indices = @transform_1, window_bounds = array<i64: 8192>}, {transform_indices = @transform_2, window_bounds = array<i64: 1024, 256>}, {pipeline_mode = #tpu.pipeline_mode<synchronous>, transform_indices = @transform_3, window_bounds = array<i64: 8192, 256>}, {transform_indices = @transform_4, window_bounds = array<i64: 1024>}, {pipeline_mode = #tpu.pipeline_mode<synchronous>, transform_indices = @transform_5, window_bounds = array<i64: 1, 1>}]} {
    %get3A = arith.constant 0 : index
    %get3A_0 = arith.constant 0 : index
    %get3A_1 = vector.load %arg3[%get3A, %get3A_0] : memref<1024x256xbf16, #tpu.memory_space<vmem>>, vector<1024x256xbf16>
    %get3A_2 = arith.constant 0 : index
    %get3A_3 = arith.constant 0 : index
    %get3A_4 = vector.load %arg1[%get3A_2, %get3A_3] : memref<1024x1xf32, #tpu.memory_space<vmem>>, vector<1024x1xf32>
    %broadcast_in_dim3A = arith.constant 0x7F800000 : f32
    %broadcast_in_dim3A_5 = vector.broadcast %broadcast_in_dim3A : f32 to vector<1024x128xf32>
    %broadcast_in_dim3A_6 = arith.constant 0.000000e+00 : f32
    %broadcast_in_dim3A_7 = vector.broadcast %broadcast_in_dim3A_6 : f32 to vector<1024x128xf32>
    %get3A_8 = arith.constant 0 : index
    %get3A_9 = arith.constant 0 : index
    %get3A_10 = vector.load %arg4[%get3A_8, %get3A_9] : memref<8192x256xbf16, #tpu.memory_space<vmem>>, vector<2048x256xbf16>
    %dot_general3A = arith.constant dense<0.000000e+00> : vector<1024x2048xf32>
    %dot_general3A_11 = tpu.matmul %get3A_1, %get3A_10, %dot_general3A {dimension_numbers = #tpu.dot_dimension_numbers<[1], [1], [0], [0], [0, 0, 1, 0], [], []>, transpose_lhs_hint = false} : vector<1024x256xbf16>, vector<2048x256xbf16>, vector<1024x2048xf32> -> vector<1024x2048xf32>
    %get3A_12 = arith.constant 0 : index
    %get3A_13 = vector.load %arg2[%get3A_12] : memref<8192xf32, #tpu.memory_space<vmem>>, vector<128xf32>
    %broadcast_in_dim3A_14 = vector.shape_cast %get3A_13 : vector<128xf32> to vector<1x128xf32>
    %add3A = vector.broadcast %get3A_4 : vector<1024x1xf32> to vector<1024x128xf32>
    %add3A_15 = vector.broadcast %broadcast_in_dim3A_14 : vector<1x128xf32> to vector<1024x128xf32>
    %add3A_16 = arith.addf %add3A, %add3A_15 : vector<1024x128xf32>
    %slice3A = vector.extract_strided_slice %dot_general3A_11 {offsets = [0, 0], sizes = [1024, 128], strides = [1, 1]} : vector<1024x2048xf32> to vector<1024x128xf32>
    %add3A_17 = arith.addf %add3A_16, %slice3A : vector<1024x128xf32>
    %lt3A = arith.cmpf olt, %add3A_17, %broadcast_in_dim3A_5 : vector<1024x128xf32>
    %select_n3A = arith.select %lt3A, %add3A_17, %broadcast_in_dim3A_5 : vector<1024x128xi1>, vector<1024x128xf32>
    %jit3A = arith.constant 0.000000e+00 : f32
    %broadcast_in_dim3A_18 = vector.broadcast %jit3A : f32 to vector<1024x128xf32>
    %select_n3A_19 = arith.select %lt3A, %broadcast_in_dim3A_18, %broadcast_in_dim3A_7 : vector<1024x128xi1>, vector<1024x128xf32>
    %get3A_20 = arith.constant 128 : index
    %get3A_21 = vector.load %arg2[%get3A_20] : memref<8192xf32, #tpu.memory_space<vmem>>, vector<128xf32>
    %broadcast_in_dim3A_22 = vector.shape_cast %get3A_21 : vector<128xf32> to vector<1x128xf32>
    %add3A_23 = vector.broadcast %get3A_4 : vector<1024x1xf32> to vector<1024x128xf32>
    %add3A_24 = vector.broadcast %broadcast_in_dim3A_22 : vector<1x128xf32> to vector<1024x128xf32>
    %add3A_25 = arith.addf %add3A_23, %add3A_24 : vector<1024x128xf32>
    %slice3A_26 = vector.extract_strided_slice %dot_general3A_11 {offsets = [0, 128], sizes = [1024, 128], strides = [1, 1]} : vector<1024x2048xf32> to vector<1024x128xf32>
    %add3A_27 = arith.addf %add3A_25, %slice3A_26 : vector<1024x128xf32>
    %lt3A_28 = arith.cmpf olt, %add3A_27, %select_n3A : vector<1024x128xf32>
    %select_n3A_29 = arith.select %lt3A_28, %add3A_27, %select_n3A : vector<1024x128xi1>, vector<1024x128xf32>
    %jit3A_30 = arith.constant 1.280000e+02 : f32
    %broadcast_in_dim3A_31 = vector.broadcast %jit3A_30 : f32 to vector<1024x128xf32>
    %select_n3A_32 = arith.select %lt3A_28, %broadcast_in_dim3A_31, %select_n3A_19 : vector<1024x128xi1>, vector<1024x128xf32>
    %get3A_33 = arith.constant 256 : index
    %get3A_34 = vector.load %arg2[%get3A_33] : memref<8192xf32, #tpu.memory_space<vmem>>, vector<128xf32>
    %broadcast_in_dim3A_35 = vector.shape_cast %get3A_34 : vector<128xf32> to vector<1x128xf32>
    %add3A_36 = vector.broadcast %get3A_4 : vector<1024x1xf32> to vector<1024x128xf32>
    %add3A_37 = vector.broadcast %broadcast_in_dim3A_35 : vector<1x128xf32> to vector<1024x128xf32>
    %add3A_38 = arith.addf %add3A_36, %add3A_37 : vector<1024x128xf32>
    %slice3A_39 = vector.extract_strided_slice %dot_general3A_11 {offsets = [0, 256], sizes = [1024, 128], strides = [1, 1]} : vector<1024x2048xf32> to vector<1024x128xf32>
    %add3A_40 = arith.addf %add3A_38, %slice3A_39 : vector<1024x128xf32>
    %lt3A_41 = arith.cmpf olt, %add3A_40, %select_n3A_29 : vector<1024x128xf32>
    %select_n3A_42 = arith.select %lt3A_41, %add3A_40, %select_n3A_29 : vector<1024x128xi1>, vector<1024x128xf32>
    %jit3A_43 = arith.constant 2.560000e+02 : f32
    %broadcast_in_dim3A_44 = vector.broadcast %jit3A_43 : f32 to vector<1024x128xf32>
    %select_n3A_45 = arith.select %lt3A_41, %broadcast_in_dim3A_44, %select_n3A_32 : vector<1024x128xi1>, vector<1024x128xf32>
    %get3A_46 = arith.constant 384 : index
    %get3A_47 = vector.load %arg2[%get3A_46] : memref<8192xf32, #tpu.memory_space<vmem>>, vector<128xf32>
    %broadcast_in_dim3A_48 = vector.shape_cast %get3A_47 : vector<128xf32> to vector<1x128xf32>
    %add3A_49 = vector.broadcast %get3A_4 : vector<1024x1xf32> to vector<1024x128xf32>
    %add3A_50 = vector.broadcast %broadcast_in_dim3A_48 : vector<1x128xf32> to vector<1024x128xf32>
    %add3A_51 = arith.addf %add3A_49, %add3A_50 : vector<1024x128xf32>
    %slice3A_52 = vector.extract_strided_slice %dot_general3A_11 {offsets = [0, 384], sizes = [1024, 128], strides = [1, 1]} : vector<1024x2048xf32> to vector<1024x128xf32>
    %add3A_53 = arith.addf %add3A_51, %slice3A_52 : vector<1024x128xf32>
    %lt3A_54 = arith.cmpf olt, %add3A_53, %select_n3A_42 : vector<1024x128xf32>
    %select_n3A_55 = arith.select %lt3A_54, %add3A_53, %select_n3A_42 : vector<1024x128xi1>, vector<1024x128xf32>
    %jit3A_56 = arith.constant 3.840000e+02 : f32
    %broadcast_in_dim3A_57 = vector.broadcast %jit3A_56 : f32 to vector<1024x128xf32>
    %select_n3A_58 = arith.select %lt3A_54, %broadcast_in_dim3A_57, %select_n3A_45 : vector<1024x128xi1>, vector<1024x128xf32>
    %get3A_59 = arith.constant 512 : index
    %get3A_60 = vector.load %arg2[%get3A_59] : memref<8192xf32, #tpu.memory_space<vmem>>, vector<128xf32>
    %broadcast_in_dim3A_61 = vector.shape_cast %get3A_60 : vector<128xf32> to vector<1x128xf32>
    %add3A_62 = vector.broadcast %get3A_4 : vector<1024x1xf32> to vector<1024x128xf32>
    %add3A_63 = vector.broadcast %broadcast_in_dim3A_61 : vector<1x128xf32> to vector<1024x128xf32>
    %add3A_64 = arith.addf %add3A_62, %add3A_63 : vector<1024x128xf32>
    %slice3A_65 = vector.extract_strided_slice %dot_general3A_11 {offsets = [0, 512], sizes = [1024, 128], strides = [1, 1]} : vector<1024x2048xf32> to vector<1024x128xf32>
    %add3A_66 = arith.addf %add3A_64, %slice3A_65 : vector<1024x128xf32>
    %lt3A_67 = arith.cmpf olt, %add3A_66, %select_n3A_55 : vector<1024x128xf32>
    %select_n3A_68 = arith.select %lt3A_67, %add3A_66, %select_n3A_55 : vector<1024x128xi1>, vector<1024x128xf32>
    %jit3A_69 = arith.constant 5.120000e+02 : f32
    %broadcast_in_dim3A_70 = vector.broadcast %jit3A_69 : f32 to vector<1024x128xf32>
    %select_n3A_71 = arith.select %lt3A_67, %broadcast_in_dim3A_70, %select_n3A_58 : vector<1024x128xi1>, vector<1024x128xf32>
    %get3A_72 = arith.constant 640 : index
    %get3A_73 = vector.load %arg2[%get3A_72] : memref<8192xf32, #tpu.memory_space<vmem>>, vector<128xf32>
    %broadcast_in_dim3A_74 = vector.shape_cast %get3A_73 : vector<128xf32> to vector<1x128xf32>
    %add3A_75 = vector.broadcast %get3A_4 : vector<1024x1xf32> to vector<1024x128xf32>
    %add3A_76 = vector.broadcast %broadcast_in_dim3A_74 : vector<1x128xf32> to vector<1024x128xf32>
    %add3A_77 = arith.addf %add3A_75, %add3A_76 : vector<1024x128xf32>
    %slice3A_78 = vector.extract_strided_slice %dot_general3A_11 {offsets = [0, 640], sizes = [1024, 128], strides = [1, 1]} : vector<1024x2048xf32> to vector<1024x128xf32>
    %add3A_79 = arith.addf %add3A_77, %slice3A_78 : vector<1024x128xf32>
    %lt3A_80 = arith.cmpf olt, %add3A_79, %select_n3A_68 : vector<1024x128xf32>
    %select_n3A_81 = arith.select %lt3A_80, %add3A_79, %select_n3A_68 : vector<1024x128xi1>, vector<1024x128xf32>
    %jit3A_82 = arith.constant 6.400000e+02 : f32
    %broadcast_in_dim3A_83 = vector.broadcast %jit3A_82 : f32 to vector<1024x128xf32>
    %select_n3A_84 = arith.select %lt3A_80, %broadcast_in_dim3A_83, %select_n3A_71 : vector<1024x128xi1>, vector<1024x128xf32>
    %get3A_85 = arith.constant 768 : index
    %get3A_86 = vector.load %arg2[%get3A_85] : memref<8192xf32, #tpu.memory_space<vmem>>, vector<128xf32>
    %broadcast_in_dim3A_87 = vector.shape_cast %get3A_86 : vector<128xf32> to vector<1x128xf32>
    %add3A_88 = vector.broadcast %get3A_4 : vector<1024x1xf32> to vector<1024x128xf32>
    %add3A_89 = vector.broadcast %broadcast_in_dim3A_87 : vector<1x128xf32> to vector<1024x128xf32>
    %add3A_90 = arith.addf %add3A_88, %add3A_89 : vector<1024x128xf32>
    %slice3A_91 = vector.extract_strided_slice %dot_general3A_11 {offsets = [0, 768], sizes = [1024, 128], strides = [1, 1]} : vector<1024x2048xf32> to vector<1024x128xf32>
    %add3A_92 = arith.addf %add3A_90, %slice3A_91 : vector<1024x128xf32>
    %lt3A_93 = arith.cmpf olt, %add3A_92, %select_n3A_81 : vector<1024x128xf32>
    %select_n3A_94 = arith.select %lt3A_93, %add3A_92, %select_n3A_81 : vector<1024x128xi1>, vector<1024x128xf32>
    %jit3A_95 = arith.constant 7.680000e+02 : f32
    %broadcast_in_dim3A_96 = vector.broadcast %jit3A_95 : f32 to vector<1024x128xf32>
    %select_n3A_97 = arith.select %lt3A_93, %broadcast_in_dim3A_96, %select_n3A_84 : vector<1024x128xi1>, vector<1024x128xf32>
    %get3A_98 = arith.constant 896 : index
    %get3A_99 = vector.load %arg2[%get3A_98] : memref<8192xf32, #tpu.memory_space<vmem>>, vector<128xf32>
    %broadcast_in_dim3A_100 = vector.shape_cast %get3A_99 : vector<128xf32> to vector<1x128xf32>
    %add3A_101 = vector.broadcast %get3A_4 : vector<1024x1xf32> to vector<1024x128xf32>
    %add3A_102 = vector.broadcast %broadcast_in_dim3A_100 : vector<1x128xf32> to vector<1024x128xf32>
    %add3A_103 = arith.addf %add3A_101, %add3A_102 : vector<1024x128xf32>
    %slice3A_104 = vector.extract_strided_slice %dot_general3A_11 {offsets = [0, 896], sizes = [1024, 128], strides = [1, 1]} : vector<1024x2048xf32> to vector<1024x128xf32>
    %add3A_105 = arith.addf %add3A_103, %slice3A_104 : vector<1024x128xf32>
    %lt3A_106 = arith.cmpf olt, %add3A_105, %select_n3A_94 : vector<1024x128xf32>
    %select_n3A_107 = arith.select %lt3A_106, %add3A_105, %select_n3A_94 : vector<1024x128xi1>, vector<1024x128xf32>
    %jit3A_108 = arith.constant 8.960000e+02 : f32
    %broadcast_in_dim3A_109 = vector.broadcast %jit3A_108 : f32 to vector<1024x128xf32>
    %select_n3A_110 = arith.select %lt3A_106, %broadcast_in_dim3A_109, %select_n3A_97 : vector<1024x128xi1>, vector<1024x128xf32>
    %get3A_111 = arith.constant 1024 : index
    %get3A_112 = vector.load %arg2[%get3A_111] : memref<8192xf32, #tpu.memory_space<vmem>>, vector<128xf32>
    %broadcast_in_dim3A_113 = vector.shape_cast %get3A_112 : vector<128xf32> to vector<1x128xf32>
    %add3A_114 = vector.broadcast %get3A_4 : vector<1024x1xf32> to vector<1024x128xf32>
    %add3A_115 = vector.broadcast %broadcast_in_dim3A_113 : vector<1x128xf32> to vector<1024x128xf32>
    %add3A_116 = arith.addf %add3A_114, %add3A_115 : vector<1024x128xf32>
    %slice3A_117 = vector.extract_strided_slice %dot_general3A_11 {offsets = [0, 1024], sizes = [1024, 128], strides = [1, 1]} : vector<1024x2048xf32> to vector<1024x128xf32>
    %add3A_118 = arith.addf %add3A_116, %slice3A_117 : vector<1024x128xf32>
    %lt3A_119 = arith.cmpf olt, %add3A_118, %select_n3A_107 : vector<1024x128xf32>
    %select_n3A_120 = arith.select %lt3A_119, %add3A_118, %select_n3A_107 : vector<1024x128xi1>, vector<1024x128xf32>
    %jit3A_121 = arith.constant 1.024000e+03 : f32
    %broadcast_in_dim3A_122 = vector.broadcast %jit3A_121 : f32 to vector<1024x128xf32>
    %select_n3A_123 = arith.select %lt3A_119, %broadcast_in_dim3A_122, %select_n3A_110 : vector<1024x128xi1>, vector<1024x128xf32>
    %get3A_124 = arith.constant 1152 : index
    %get3A_125 = vector.load %arg2[%get3A_124] : memref<8192xf32, #tpu.memory_space<vmem>>, vector<128xf32>
    %broadcast_in_dim3A_126 = vector.shape_cast %get3A_125 : vector<128xf32> to vector<1x128xf32>
    %add3A_127 = vector.broadcast %get3A_4 : vector<1024x1xf32> to vector<1024x128xf32>
    %add3A_128 = vector.broadcast %broadcast_in_dim3A_126 : vector<1x128xf32> to vector<1024x128xf32>
    %add3A_129 = arith.addf %add3A_127, %add3A_128 : vector<1024x128xf32>
    %slice3A_130 = vector.extract_strided_slice %dot_general3A_11 {offsets = [0, 1152], sizes = [1024, 128], strides = [1, 1]} : vector<1024x2048xf32> to vector<1024x128xf32>
    %add3A_131 = arith.addf %add3A_129, %slice3A_130 : vector<1024x128xf32>
    %lt3A_132 = arith.cmpf olt, %add3A_131, %select_n3A_120 : vector<1024x128xf32>
    %select_n3A_133 = arith.select %lt3A_132, %add3A_131, %select_n3A_120 : vector<1024x128xi1>, vector<1024x128xf32>
    %jit3A_134 = arith.constant 1.152000e+03 : f32
    %broadcast_in_dim3A_135 = vector.broadcast %jit3A_134 : f32 to vector<1024x128xf32>
    %select_n3A_136 = arith.select %lt3A_132, %broadcast_in_dim3A_135, %select_n3A_123 : vector<1024x128xi1>, vector<1024x128xf32>
    %get3A_137 = arith.constant 1280 : index
    %get3A_138 = vector.load %arg2[%get3A_137] : memref<8192xf32, #tpu.memory_space<vmem>>, vector<128xf32>
    %broadcast_in_dim3A_139 = vector.shape_cast %get3A_138 : vector<128xf32> to vector<1x128xf32>
    %add3A_140 = vector.broadcast %get3A_4 : vector<1024x1xf32> to vector<1024x128xf32>
    %add3A_141 = vector.broadcast %broadcast_in_dim3A_139 : vector<1x128xf32> to vector<1024x128xf32>
    %add3A_142 = arith.addf %add3A_140, %add3A_141 : vector<1024x128xf32>
    %slice3A_143 = vector.extract_strided_slice %dot_general3A_11 {offsets = [0, 1280], sizes = [1024, 128], strides = [1, 1]} : vector<1024x2048xf32> to vector<1024x128xf32>
    %add3A_144 = arith.addf %add3A_142, %slice3A_143 : vector<1024x128xf32>
    %lt3A_145 = arith.cmpf olt, %add3A_144, %select_n3A_133 : vector<1024x128xf32>
    %select_n3A_146 = arith.select %lt3A_145, %add3A_144, %select_n3A_133 : vector<1024x128xi1>, vector<1024x128xf32>
    %jit3A_147 = arith.constant 1.280000e+03 : f32
    %broadcast_in_dim3A_148 = vector.broadcast %jit3A_147 : f32 to vector<1024x128xf32>
    %select_n3A_149 = arith.select %lt3A_145, %broadcast_in_dim3A_148, %select_n3A_136 : vector<1024x128xi1>, vector<1024x128xf32>
    %get3A_150 = arith.constant 1408 : index
    %get3A_151 = vector.load %arg2[%get3A_150] : memref<8192xf32, #tpu.memory_space<vmem>>, vector<128xf32>
    %broadcast_in_dim3A_152 = vector.shape_cast %get3A_151 : vector<128xf32> to vector<1x128xf32>
    %add3A_153 = vector.broadcast %get3A_4 : vector<1024x1xf32> to vector<1024x128xf32>
    %add3A_154 = vector.broadcast %broadcast_in_dim3A_152 : vector<1x128xf32> to vector<1024x128xf32>
    %add3A_155 = arith.addf %add3A_153, %add3A_154 : vector<1024x128xf32>
    %slice3A_156 = vector.extract_strided_slice %dot_general3A_11 {offsets = [0, 1408], sizes = [1024, 128], strides = [1, 1]} : vector<1024x2048xf32> to vector<1024x128xf32>
    %add3A_157 = arith.addf %add3A_155, %slice3A_156 : vector<1024x128xf32>
    %lt3A_158 = arith.cmpf olt, %add3A_157, %select_n3A_146 : vector<1024x128xf32>
    %select_n3A_159 = arith.select %lt3A_158, %add3A_157, %select_n3A_146 : vector<1024x128xi1>, vector<1024x128xf32>
    %jit3A_160 = arith.constant 1.408000e+03 : f32
    %broadcast_in_dim3A_161 = vector.broadcast %jit3A_160 : f32 to vector<1024x128xf32>
    %select_n3A_162 = arith.select %lt3A_158, %broadcast_in_dim3A_161, %select_n3A_149 : vector<1024x128xi1>, vector<1024x128xf32>
    %get3A_163 = arith.constant 1536 : index
    %get3A_164 = vector.load %arg2[%get3A_163] : memref<8192xf32, #tpu.memory_space<vmem>>, vector<128xf32>
    %broadcast_in_dim3A_165 = vector.shape_cast %get3A_164 : vector<128xf32> to vector<1x128xf32>
    %add3A_166 = vector.broadcast %get3A_4 : vector<1024x1xf32> to vector<1024x128xf32>
    %add3A_167 = vector.broadcast %broadcast_in_dim3A_165 : vector<1x128xf32> to vector<1024x128xf32>
    %add3A_168 = arith.addf %add3A_166, %add3A_167 : vector<1024x128xf32>
    %slice3A_169 = vector.extract_strided_slice %dot_general3A_11 {offsets = [0, 1536], sizes = [1024, 128], strides = [1, 1]} : vector<1024x2048xf32> to vector<1024x128xf32>
    %add3A_170 = arith.addf %add3A_168, %slice3A_169 : vector<1024x128xf32>
    %lt3A_171 = arith.cmpf olt, %add3A_170, %select_n3A_159 : vector<1024x128xf32>
    %select_n3A_172 = arith.select %lt3A_171, %add3A_170, %select_n3A_159 : vector<1024x128xi1>, vector<1024x128xf32>
    %jit3A_173 = arith.constant 1.536000e+03 : f32
    %broadcast_in_dim3A_174 = vector.broadcast %jit3A_173 : f32 to vector<1024x128xf32>
    %select_n3A_175 = arith.select %lt3A_171, %broadcast_in_dim3A_174, %select_n3A_162 : vector<1024x128xi1>, vector<1024x128xf32>
    %get3A_176 = arith.constant 1664 : index
    %get3A_177 = vector.load %arg2[%get3A_176] : memref<8192xf32, #tpu.memory_space<vmem>>, vector<128xf32>
    %broadcast_in_dim3A_178 = vector.shape_cast %get3A_177 : vector<128xf32> to vector<1x128xf32>
    %add3A_179 = vector.broadcast %get3A_4 : vector<1024x1xf32> to vector<1024x128xf32>
    %add3A_180 = vector.broadcast %broadcast_in_dim3A_178 : vector<1x128xf32> to vector<1024x128xf32>
    %add3A_181 = arith.addf %add3A_179, %add3A_180 : vector<1024x128xf32>
    %slice3A_182 = vector.extract_strided_slice %dot_general3A_11 {offsets = [0, 1664], sizes = [1024, 128], strides = [1, 1]} : vector<1024x2048xf32> to vector<1024x128xf32>
    %add3A_183 = arith.addf %add3A_181, %slice3A_182 : vector<1024x128xf32>
    %lt3A_184 = arith.cmpf olt, %add3A_183, %select_n3A_172 : vector<1024x128xf32>
    %select_n3A_185 = arith.select %lt3A_184, %add3A_183, %select_n3A_172 : vector<1024x128xi1>, vector<1024x128xf32>
    %jit3A_186 = arith.constant 1.664000e+03 : f32
    %broadcast_in_dim3A_187 = vector.broadcast %jit3A_186 : f32 to vector<1024x128xf32>
    %select_n3A_188 = arith.select %lt3A_184, %broadcast_in_dim3A_187, %select_n3A_175 : vector<1024x128xi1>, vector<1024x128xf32>
    %get3A_189 = arith.constant 1792 : index
    %get3A_190 = vector.load %arg2[%get3A_189] : memref<8192xf32, #tpu.memory_space<vmem>>, vector<128xf32>
    %broadcast_in_dim3A_191 = vector.shape_cast %get3A_190 : vector<128xf32> to vector<1x128xf32>
    %add3A_192 = vector.broadcast %get3A_4 : vector<1024x1xf32> to vector<1024x128xf32>
    %add3A_193 = vector.broadcast %broadcast_in_dim3A_191 : vector<1x128xf32> to vector<1024x128xf32>
    %add3A_194 = arith.addf %add3A_192, %add3A_193 : vector<1024x128xf32>
    %slice3A_195 = vector.extract_strided_slice %dot_general3A_11 {offsets = [0, 1792], sizes = [1024, 128], strides = [1, 1]} : vector<1024x2048xf32> to vector<1024x128xf32>
    %add3A_196 = arith.addf %add3A_194, %slice3A_195 : vector<1024x128xf32>
    %lt3A_197 = arith.cmpf olt, %add3A_196, %select_n3A_185 : vector<1024x128xf32>
    %select_n3A_198 = arith.select %lt3A_197, %add3A_196, %select_n3A_185 : vector<1024x128xi1>, vector<1024x128xf32>
    %jit3A_199 = arith.constant 1.792000e+03 : f32
    %broadcast_in_dim3A_200 = vector.broadcast %jit3A_199 : f32 to vector<1024x128xf32>
    %select_n3A_201 = arith.select %lt3A_197, %broadcast_in_dim3A_200, %select_n3A_188 : vector<1024x128xi1>, vector<1024x128xf32>
    %get3A_202 = arith.constant 1920 : index
    %get3A_203 = vector.load %arg2[%get3A_202] : memref<8192xf32, #tpu.memory_space<vmem>>, vector<128xf32>
    %broadcast_in_dim3A_204 = vector.shape_cast %get3A_203 : vector<128xf32> to vector<1x128xf32>
    %add3A_205 = vector.broadcast %get3A_4 : vector<1024x1xf32> to vector<1024x128xf32>
    %add3A_206 = vector.broadcast %broadcast_in_dim3A_204 : vector<1x128xf32> to vector<1024x128xf32>
    %add3A_207 = arith.addf %add3A_205, %add3A_206 : vector<1024x128xf32>
    %slice3A_208 = vector.extract_strided_slice %dot_general3A_11 {offsets = [0, 1920], sizes = [1024, 128], strides = [1, 1]} : vector<1024x2048xf32> to vector<1024x128xf32>
    %add3A_209 = arith.addf %add3A_207, %slice3A_208 : vector<1024x128xf32>
    %lt3A_210 = arith.cmpf olt, %add3A_209, %select_n3A_198 : vector<1024x128xf32>
    %select_n3A_211 = arith.select %lt3A_210, %add3A_209, %select_n3A_198 : vector<1024x128xi1>, vector<1024x128xf32>
    %jit3A_212 = arith.constant 1.920000e+03 : f32
    %broadcast_in_dim3A_213 = vector.broadcast %jit3A_212 : f32 to vector<1024x128xf32>
    %select_n3A_214 = arith.select %lt3A_210, %broadcast_in_dim3A_213, %select_n3A_201 : vector<1024x128xi1>, vector<1024x128xf32>
    %get3A_215 = arith.constant 2048 : index
    %get3A_216 = arith.constant 0 : index
    %get3A_217 = vector.load %arg4[%get3A_215, %get3A_216] : memref<8192x256xbf16, #tpu.memory_space<vmem>>, vector<2048x256xbf16>
    %dot_general3A_218 = arith.constant dense<0.000000e+00> : vector<1024x2048xf32>
    %dot_general3A_219 = tpu.matmul %get3A_1, %get3A_217, %dot_general3A_218 {dimension_numbers = #tpu.dot_dimension_numbers<[1], [1], [0], [0], [0, 0, 1, 0], [], []>, transpose_lhs_hint = false} : vector<1024x256xbf16>, vector<2048x256xbf16>, vector<1024x2048xf32> -> vector<1024x2048xf32>
    %get3A_220 = arith.constant 2048 : index
    %get3A_221 = vector.load %arg2[%get3A_220] : memref<8192xf32, #tpu.memory_space<vmem>>, vector<128xf32>
    %broadcast_in_dim3A_222 = vector.shape_cast %get3A_221 : vector<128xf32> to vector<1x128xf32>
    %add3A_223 = vector.broadcast %get3A_4 : vector<1024x1xf32> to vector<1024x128xf32>
    %add3A_224 = vector.broadcast %broadcast_in_dim3A_222 : vector<1x128xf32> to vector<1024x128xf32>
    %add3A_225 = arith.addf %add3A_223, %add3A_224 : vector<1024x128xf32>
    %slice3A_226 = vector.extract_strided_slice %dot_general3A_219 {offsets = [0, 0], sizes = [1024, 128], strides = [1, 1]} : vector<1024x2048xf32> to vector<1024x128xf32>
    %add3A_227 = arith.addf %add3A_225, %slice3A_226 : vector<1024x128xf32>
    %lt3A_228 = arith.cmpf olt, %add3A_227, %select_n3A_211 : vector<1024x128xf32>
    %select_n3A_229 = arith.select %lt3A_228, %add3A_227, %select_n3A_211 : vector<1024x128xi1>, vector<1024x128xf32>
    %jit3A_230 = arith.constant 2.048000e+03 : f32
    %broadcast_in_dim3A_231 = vector.broadcast %jit3A_230 : f32 to vector<1024x128xf32>
    %select_n3A_232 = arith.select %lt3A_228, %broadcast_in_dim3A_231, %select_n3A_214 : vector<1024x128xi1>, vector<1024x128xf32>
    %get3A_233 = arith.constant 2176 : index
    %get3A_234 = vector.load %arg2[%get3A_233] : memref<8192xf32, #tpu.memory_space<vmem>>, vector<128xf32>
    %broadcast_in_dim3A_235 = vector.shape_cast %get3A_234 : vector<128xf32> to vector<1x128xf32>
    %add3A_236 = vector.broadcast %get3A_4 : vector<1024x1xf32> to vector<1024x128xf32>
    %add3A_237 = vector.broadcast %broadcast_in_dim3A_235 : vector<1x128xf32> to vector<1024x128xf32>
    %add3A_238 = arith.addf %add3A_236, %add3A_237 : vector<1024x128xf32>
    %slice3A_239 = vector.extract_strided_slice %dot_general3A_219 {offsets = [0, 128], sizes = [1024, 128], strides = [1, 1]} : vector<1024x2048xf32> to vector<1024x128xf32>
    %add3A_240 = arith.addf %add3A_238, %slice3A_239 : vector<1024x128xf32>
    %lt3A_241 = arith.cmpf olt, %add3A_240, %select_n3A_229 : vector<1024x128xf32>
    %select_n3A_242 = arith.select %lt3A_241, %add3A_240, %select_n3A_229 : vector<1024x128xi1>, vector<1024x128xf32>
    %jit3A_243 = arith.constant 2.176000e+03 : f32
    %broadcast_in_dim3A_244 = vector.broadcast %jit3A_243 : f32 to vector<1024x128xf32>
    %select_n3A_245 = arith.select %lt3A_241, %broadcast_in_dim3A_244, %select_n3A_232 : vector<1024x128xi1>, vector<1024x128xf32>
    %get3A_246 = arith.constant 2304 : index
    %get3A_247 = vector.load %arg2[%get3A_246] : memref<8192xf32, #tpu.memory_space<vmem>>, vector<128xf32>
    %broadcast_in_dim3A_248 = vector.shape_cast %get3A_247 : vector<128xf32> to vector<1x128xf32>
    %add3A_249 = vector.broadcast %get3A_4 : vector<1024x1xf32> to vector<1024x128xf32>
    %add3A_250 = vector.broadcast %broadcast_in_dim3A_248 : vector<1x128xf32> to vector<1024x128xf32>
    %add3A_251 = arith.addf %add3A_249, %add3A_250 : vector<1024x128xf32>
    %slice3A_252 = vector.extract_strided_slice %dot_general3A_219 {offsets = [0, 256], sizes = [1024, 128], strides = [1, 1]} : vector<1024x2048xf32> to vector<1024x128xf32>
    %add3A_253 = arith.addf %add3A_251, %slice3A_252 : vector<1024x128xf32>
    %lt3A_254 = arith.cmpf olt, %add3A_253, %select_n3A_242 : vector<1024x128xf32>
    %select_n3A_255 = arith.select %lt3A_254, %add3A_253, %select_n3A_242 : vector<1024x128xi1>, vector<1024x128xf32>
    %jit3A_256 = arith.constant 2.304000e+03 : f32
    %broadcast_in_dim3A_257 = vector.broadcast %jit3A_256 : f32 to vector<1024x128xf32>
    %select_n3A_258 = arith.select %lt3A_254, %broadcast_in_dim3A_257, %select_n3A_245 : vector<1024x128xi1>, vector<1024x128xf32>
    %get3A_259 = arith.constant 2432 : index
    %get3A_260 = vector.load %arg2[%get3A_259] : memref<8192xf32, #tpu.memory_space<vmem>>, vector<128xf32>
    %broadcast_in_dim3A_261 = vector.shape_cast %get3A_260 : vector<128xf32> to vector<1x128xf32>
    %add3A_262 = vector.broadcast %get3A_4 : vector<1024x1xf32> to vector<1024x128xf32>
    %add3A_263 = vector.broadcast %broadcast_in_dim3A_261 : vector<1x128xf32> to vector<1024x128xf32>
    %add3A_264 = arith.addf %add3A_262, %add3A_263 : vector<1024x128xf32>
    %slice3A_265 = vector.extract_strided_slice %dot_general3A_219 {offsets = [0, 384], sizes = [1024, 128], strides = [1, 1]} : vector<1024x2048xf32> to vector<1024x128xf32>
    %add3A_266 = arith.addf %add3A_264, %slice3A_265 : vector<1024x128xf32>
    %lt3A_267 = arith.cmpf olt, %add3A_266, %select_n3A_255 : vector<1024x128xf32>
    %select_n3A_268 = arith.select %lt3A_267, %add3A_266, %select_n3A_255 : vector<1024x128xi1>, vector<1024x128xf32>
    %jit3A_269 = arith.constant 2.432000e+03 : f32
    %broadcast_in_dim3A_270 = vector.broadcast %jit3A_269 : f32 to vector<1024x128xf32>
    %select_n3A_271 = arith.select %lt3A_267, %broadcast_in_dim3A_270, %select_n3A_258 : vector<1024x128xi1>, vector<1024x128xf32>
    %get3A_272 = arith.constant 2560 : index
    %get3A_273 = vector.load %arg2[%get3A_272] : memref<8192xf32, #tpu.memory_space<vmem>>, vector<128xf32>
    %broadcast_in_dim3A_274 = vector.shape_cast %get3A_273 : vector<128xf32> to vector<1x128xf32>
    %add3A_275 = vector.broadcast %get3A_4 : vector<1024x1xf32> to vector<1024x128xf32>
    %add3A_276 = vector.broadcast %broadcast_in_dim3A_274 : vector<1x128xf32> to vector<1024x128xf32>
    %add3A_277 = arith.addf %add3A_275, %add3A_276 : vector<1024x128xf32>
    %slice3A_278 = vector.extract_strided_slice %dot_general3A_219 {offsets = [0, 512], sizes = [1024, 128], strides = [1, 1]} : vector<1024x2048xf32> to vector<1024x128xf32>
    %add3A_279 = arith.addf %add3A_277, %slice3A_278 : vector<1024x128xf32>
    %lt3A_280 = arith.cmpf olt, %add3A_279, %select_n3A_268 : vector<1024x128xf32>
    %select_n3A_281 = arith.select %lt3A_280, %add3A_279, %select_n3A_268 : vector<1024x128xi1>, vector<1024x128xf32>
    %jit3A_282 = arith.constant 2.560000e+03 : f32
    %broadcast_in_dim3A_283 = vector.broadcast %jit3A_282 : f32 to vector<1024x128xf32>
    %select_n3A_284 = arith.select %lt3A_280, %broadcast_in_dim3A_283, %select_n3A_271 : vector<1024x128xi1>, vector<1024x128xf32>
    %get3A_285 = arith.constant 2688 : index
    %get3A_286 = vector.load %arg2[%get3A_285] : memref<8192xf32, #tpu.memory_space<vmem>>, vector<128xf32>
    %broadcast_in_dim3A_287 = vector.shape_cast %get3A_286 : vector<128xf32> to vector<1x128xf32>
    %add3A_288 = vector.broadcast %get3A_4 : vector<1024x1xf32> to vector<1024x128xf32>
    %add3A_289 = vector.broadcast %broadcast_in_dim3A_287 : vector<1x128xf32> to vector<1024x128xf32>
    %add3A_290 = arith.addf %add3A_288, %add3A_289 : vector<1024x128xf32>
    %slice3A_291 = vector.extract_strided_slice %dot_general3A_219 {offsets = [0, 640], sizes = [1024, 128], strides = [1, 1]} : vector<1024x2048xf32> to vector<1024x128xf32>
    %add3A_292 = arith.addf %add3A_290, %slice3A_291 : vector<1024x128xf32>
    %lt3A_293 = arith.cmpf olt, %add3A_292, %select_n3A_281 : vector<1024x128xf32>
    %select_n3A_294 = arith.select %lt3A_293, %add3A_292, %select_n3A_281 : vector<1024x128xi1>, vector<1024x128xf32>
    %jit3A_295 = arith.constant 2.688000e+03 : f32
    %broadcast_in_dim3A_296 = vector.broadcast %jit3A_295 : f32 to vector<1024x128xf32>
    %select_n3A_297 = arith.select %lt3A_293, %broadcast_in_dim3A_296, %select_n3A_284 : vector<1024x128xi1>, vector<1024x128xf32>
    %get3A_298 = arith.constant 2816 : index
    %get3A_299 = vector.load %arg2[%get3A_298] : memref<8192xf32, #tpu.memory_space<vmem>>, vector<128xf32>
    %broadcast_in_dim3A_300 = vector.shape_cast %get3A_299 : vector<128xf32> to vector<1x128xf32>
    %add3A_301 = vector.broadcast %get3A_4 : vector<1024x1xf32> to vector<1024x128xf32>
    %add3A_302 = vector.broadcast %broadcast_in_dim3A_300 : vector<1x128xf32> to vector<1024x128xf32>
    %add3A_303 = arith.addf %add3A_301, %add3A_302 : vector<1024x128xf32>
    %slice3A_304 = vector.extract_strided_slice %dot_general3A_219 {offsets = [0, 768], sizes = [1024, 128], strides = [1, 1]} : vector<1024x2048xf32> to vector<1024x128xf32>
    %add3A_305 = arith.addf %add3A_303, %slice3A_304 : vector<1024x128xf32>
    %lt3A_306 = arith.cmpf olt, %add3A_305, %select_n3A_294 : vector<1024x128xf32>
    %select_n3A_307 = arith.select %lt3A_306, %add3A_305, %select_n3A_294 : vector<1024x128xi1>, vector<1024x128xf32>
    %jit3A_308 = arith.constant 2.816000e+03 : f32
    %broadcast_in_dim3A_309 = vector.broadcast %jit3A_308 : f32 to vector<1024x128xf32>
    %select_n3A_310 = arith.select %lt3A_306, %broadcast_in_dim3A_309, %select_n3A_297 : vector<1024x128xi1>, vector<1024x128xf32>
    %get3A_311 = arith.constant 2944 : index
    %get3A_312 = vector.load %arg2[%get3A_311] : memref<8192xf32, #tpu.memory_space<vmem>>, vector<128xf32>
    %broadcast_in_dim3A_313 = vector.shape_cast %get3A_312 : vector<128xf32> to vector<1x128xf32>
    %add3A_314 = vector.broadcast %get3A_4 : vector<1024x1xf32> to vector<1024x128xf32>
    %add3A_315 = vector.broadcast %broadcast_in_dim3A_313 : vector<1x128xf32> to vector<1024x128xf32>
    %add3A_316 = arith.addf %add3A_314, %add3A_315 : vector<1024x128xf32>
    %slice3A_317 = vector.extract_strided_slice %dot_general3A_219 {offsets = [0, 896], sizes = [1024, 128], strides = [1, 1]} : vector<1024x2048xf32> to vector<1024x128xf32>
    %add3A_318 = arith.addf %add3A_316, %slice3A_317 : vector<1024x128xf32>
    %lt3A_319 = arith.cmpf olt, %add3A_318, %select_n3A_307 : vector<1024x128xf32>
    %select_n3A_320 = arith.select %lt3A_319, %add3A_318, %select_n3A_307 : vector<1024x128xi1>, vector<1024x128xf32>
    %jit3A_321 = arith.constant 2.944000e+03 : f32
    %broadcast_in_dim3A_322 = vector.broadcast %jit3A_321 : f32 to vector<1024x128xf32>
    %select_n3A_323 = arith.select %lt3A_319, %broadcast_in_dim3A_322, %select_n3A_310 : vector<1024x128xi1>, vector<1024x128xf32>
    %get3A_324 = arith.constant 3072 : index
    %get3A_325 = vector.load %arg2[%get3A_324] : memref<8192xf32, #tpu.memory_space<vmem>>, vector<128xf32>
    %broadcast_in_dim3A_326 = vector.shape_cast %get3A_325 : vector<128xf32> to vector<1x128xf32>
    %add3A_327 = vector.broadcast %get3A_4 : vector<1024x1xf32> to vector<1024x128xf32>
    %add3A_328 = vector.broadcast %broadcast_in_dim3A_326 : vector<1x128xf32> to vector<1024x128xf32>
    %add3A_329 = arith.addf %add3A_327, %add3A_328 : vector<1024x128xf32>
    %slice3A_330 = vector.extract_strided_slice %dot_general3A_219 {offsets = [0, 1024], sizes = [1024, 128], strides = [1, 1]} : vector<1024x2048xf32> to vector<1024x128xf32>
    %add3A_331 = arith.addf %add3A_329, %slice3A_330 : vector<1024x128xf32>
    %lt3A_332 = arith.cmpf olt, %add3A_331, %select_n3A_320 : vector<1024x128xf32>
    %select_n3A_333 = arith.select %lt3A_332, %add3A_331, %select_n3A_320 : vector<1024x128xi1>, vector<1024x128xf32>
    %jit3A_334 = arith.constant 3.072000e+03 : f32
    %broadcast_in_dim3A_335 = vector.broadcast %jit3A_334 : f32 to vector<1024x128xf32>
    %select_n3A_336 = arith.select %lt3A_332, %broadcast_in_dim3A_335, %select_n3A_323 : vector<1024x128xi1>, vector<1024x128xf32>
    %get3A_337 = arith.constant 3200 : index
    %get3A_338 = vector.load %arg2[%get3A_337] : memref<8192xf32, #tpu.memory_space<vmem>>, vector<128xf32>
    %broadcast_in_dim3A_339 = vector.shape_cast %get3A_338 : vector<128xf32> to vector<1x128xf32>
    %add3A_340 = vector.broadcast %get3A_4 : vector<1024x1xf32> to vector<1024x128xf32>
    %add3A_341 = vector.broadcast %broadcast_in_dim3A_339 : vector<1x128xf32> to vector<1024x128xf32>
    %add3A_342 = arith.addf %add3A_340, %add3A_341 : vector<1024x128xf32>
    %slice3A_343 = vector.extract_strided_slice %dot_general3A_219 {offsets = [0, 1152], sizes = [1024, 128], strides = [1, 1]} : vector<1024x2048xf32> to vector<1024x128xf32>
    %add3A_344 = arith.addf %add3A_342, %slice3A_343 : vector<1024x128xf32>
    %lt3A_345 = arith.cmpf olt, %add3A_344, %select_n3A_333 : vector<1024x128xf32>
    %select_n3A_346 = arith.select %lt3A_345, %add3A_344, %select_n3A_333 : vector<1024x128xi1>, vector<1024x128xf32>
    %jit3A_347 = arith.constant 3.200000e+03 : f32
    %broadcast_in_dim3A_348 = vector.broadcast %jit3A_347 : f32 to vector<1024x128xf32>
    %select_n3A_349 = arith.select %lt3A_345, %broadcast_in_dim3A_348, %select_n3A_336 : vector<1024x128xi1>, vector<1024x128xf32>
    %get3A_350 = arith.constant 3328 : index
    %get3A_351 = vector.load %arg2[%get3A_350] : memref<8192xf32, #tpu.memory_space<vmem>>, vector<128xf32>
    %broadcast_in_dim3A_352 = vector.shape_cast %get3A_351 : vector<128xf32> to vector<1x128xf32>
    %add3A_353 = vector.broadcast %get3A_4 : vector<1024x1xf32> to vector<1024x128xf32>
    %add3A_354 = vector.broadcast %broadcast_in_dim3A_352 : vector<1x128xf32> to vector<1024x128xf32>
    %add3A_355 = arith.addf %add3A_353, %add3A_354 : vector<1024x128xf32>
    %slice3A_356 = vector.extract_strided_slice %dot_general3A_219 {offsets = [0, 1280], sizes = [1024, 128], strides = [1, 1]} : vector<1024x2048xf32> to vector<1024x128xf32>
    %add3A_357 = arith.addf %add3A_355, %slice3A_356 : vector<1024x128xf32>
    %lt3A_358 = arith.cmpf olt, %add3A_357, %select_n3A_346 : vector<1024x128xf32>
    %select_n3A_359 = arith.select %lt3A_358, %add3A_357, %select_n3A_346 : vector<1024x128xi1>, vector<1024x128xf32>
    %jit3A_360 = arith.constant 3.328000e+03 : f32
    %broadcast_in_dim3A_361 = vector.broadcast %jit3A_360 : f32 to vector<1024x128xf32>
    %select_n3A_362 = arith.select %lt3A_358, %broadcast_in_dim3A_361, %select_n3A_349 : vector<1024x128xi1>, vector<1024x128xf32>
    %get3A_363 = arith.constant 3456 : index
    %get3A_364 = vector.load %arg2[%get3A_363] : memref<8192xf32, #tpu.memory_space<vmem>>, vector<128xf32>
    %broadcast_in_dim3A_365 = vector.shape_cast %get3A_364 : vector<128xf32> to vector<1x128xf32>
    %add3A_366 = vector.broadcast %get3A_4 : vector<1024x1xf32> to vector<1024x128xf32>
    %add3A_367 = vector.broadcast %broadcast_in_dim3A_365 : vector<1x128xf32> to vector<1024x128xf32>
    %add3A_368 = arith.addf %add3A_366, %add3A_367 : vector<1024x128xf32>
    %slice3A_369 = vector.extract_strided_slice %dot_general3A_219 {offsets = [0, 1408], sizes = [1024, 128], strides = [1, 1]} : vector<1024x2048xf32> to vector<1024x128xf32>
    %add3A_370 = arith.addf %add3A_368, %slice3A_369 : vector<1024x128xf32>
    %lt3A_371 = arith.cmpf olt, %add3A_370, %select_n3A_359 : vector<1024x128xf32>
    %select_n3A_372 = arith.select %lt3A_371, %add3A_370, %select_n3A_359 : vector<1024x128xi1>, vector<1024x128xf32>
    %jit3A_373 = arith.constant 3.456000e+03 : f32
    %broadcast_in_dim3A_374 = vector.broadcast %jit3A_373 : f32 to vector<1024x128xf32>
    %select_n3A_375 = arith.select %lt3A_371, %broadcast_in_dim3A_374, %select_n3A_362 : vector<1024x128xi1>, vector<1024x128xf32>
    %get3A_376 = arith.constant 3584 : index
    %get3A_377 = vector.load %arg2[%get3A_376] : memref<8192xf32, #tpu.memory_space<vmem>>, vector<128xf32>
    %broadcast_in_dim3A_378 = vector.shape_cast %get3A_377 : vector<128xf32> to vector<1x128xf32>
    %add3A_379 = vector.broadcast %get3A_4 : vector<1024x1xf32> to vector<1024x128xf32>
    %add3A_380 = vector.broadcast %broadcast_in_dim3A_378 : vector<1x128xf32> to vector<1024x128xf32>
    %add3A_381 = arith.addf %add3A_379, %add3A_380 : vector<1024x128xf32>
    %slice3A_382 = vector.extract_strided_slice %dot_general3A_219 {offsets = [0, 1536], sizes = [1024, 128], strides = [1, 1]} : vector<1024x2048xf32> to vector<1024x128xf32>
    %add3A_383 = arith.addf %add3A_381, %slice3A_382 : vector<1024x128xf32>
    %lt3A_384 = arith.cmpf olt, %add3A_383, %select_n3A_372 : vector<1024x128xf32>
    %select_n3A_385 = arith.select %lt3A_384, %add3A_383, %select_n3A_372 : vector<1024x128xi1>, vector<1024x128xf32>
    %jit3A_386 = arith.constant 3.584000e+03 : f32
    %broadcast_in_dim3A_387 = vector.broadcast %jit3A_386 : f32 to vector<1024x128xf32>
    %select_n3A_388 = arith.select %lt3A_384, %broadcast_in_dim3A_387, %select_n3A_375 : vector<1024x128xi1>, vector<1024x128xf32>
    %get3A_389 = arith.constant 3712 : index
    %get3A_390 = vector.load %arg2[%get3A_389] : memref<8192xf32, #tpu.memory_space<vmem>>, vector<128xf32>
    %broadcast_in_dim3A_391 = vector.shape_cast %get3A_390 : vector<128xf32> to vector<1x128xf32>
    %add3A_392 = vector.broadcast %get3A_4 : vector<1024x1xf32> to vector<1024x128xf32>
    %add3A_393 = vector.broadcast %broadcast_in_dim3A_391 : vector<1x128xf32> to vector<1024x128xf32>
    %add3A_394 = arith.addf %add3A_392, %add3A_393 : vector<1024x128xf32>
    %slice3A_395 = vector.extract_strided_slice %dot_general3A_219 {offsets = [0, 1664], sizes = [1024, 128], strides = [1, 1]} : vector<1024x2048xf32> to vector<1024x128xf32>
    %add3A_396 = arith.addf %add3A_394, %slice3A_395 : vector<1024x128xf32>
    %lt3A_397 = arith.cmpf olt, %add3A_396, %select_n3A_385 : vector<1024x128xf32>
    %select_n3A_398 = arith.select %lt3A_397, %add3A_396, %select_n3A_385 : vector<1024x128xi1>, vector<1024x128xf32>
    %jit3A_399 = arith.constant 3.712000e+03 : f32
    %broadcast_in_dim3A_400 = vector.broadcast %jit3A_399 : f32 to vector<1024x128xf32>
    %select_n3A_401 = arith.select %lt3A_397, %broadcast_in_dim3A_400, %select_n3A_388 : vector<1024x128xi1>, vector<1024x128xf32>
    %get3A_402 = arith.constant 3840 : index
    %get3A_403 = vector.load %arg2[%get3A_402] : memref<8192xf32, #tpu.memory_space<vmem>>, vector<128xf32>
    %broadcast_in_dim3A_404 = vector.shape_cast %get3A_403 : vector<128xf32> to vector<1x128xf32>
    %add3A_405 = vector.broadcast %get3A_4 : vector<1024x1xf32> to vector<1024x128xf32>
    %add3A_406 = vector.broadcast %broadcast_in_dim3A_404 : vector<1x128xf32> to vector<1024x128xf32>
    %add3A_407 = arith.addf %add3A_405, %add3A_406 : vector<1024x128xf32>
    %slice3A_408 = vector.extract_strided_slice %dot_general3A_219 {offsets = [0, 1792], sizes = [1024, 128], strides = [1, 1]} : vector<1024x2048xf32> to vector<1024x128xf32>
    %add3A_409 = arith.addf %add3A_407, %slice3A_408 : vector<1024x128xf32>
    %lt3A_410 = arith.cmpf olt, %add3A_409, %select_n3A_398 : vector<1024x128xf32>
    %select_n3A_411 = arith.select %lt3A_410, %add3A_409, %select_n3A_398 : vector<1024x128xi1>, vector<1024x128xf32>
    %jit3A_412 = arith.constant 3.840000e+03 : f32
    %broadcast_in_dim3A_413 = vector.broadcast %jit3A_412 : f32 to vector<1024x128xf32>
    %select_n3A_414 = arith.select %lt3A_410, %broadcast_in_dim3A_413, %select_n3A_401 : vector<1024x128xi1>, vector<1024x128xf32>
    %get3A_415 = arith.constant 3968 : index
    %get3A_416 = vector.load %arg2[%get3A_415] : memref<8192xf32, #tpu.memory_space<vmem>>, vector<128xf32>
    %broadcast_in_dim3A_417 = vector.shape_cast %get3A_416 : vector<128xf32> to vector<1x128xf32>
    %add3A_418 = vector.broadcast %get3A_4 : vector<1024x1xf32> to vector<1024x128xf32>
    %add3A_419 = vector.broadcast %broadcast_in_dim3A_417 : vector<1x128xf32> to vector<1024x128xf32>
    %add3A_420 = arith.addf %add3A_418, %add3A_419 : vector<1024x128xf32>
    %slice3A_421 = vector.extract_strided_slice %dot_general3A_219 {offsets = [0, 1920], sizes = [1024, 128], strides = [1, 1]} : vector<1024x2048xf32> to vector<1024x128xf32>
    %add3A_422 = arith.addf %add3A_420, %slice3A_421 : vector<1024x128xf32>
    %lt3A_423 = arith.cmpf olt, %add3A_422, %select_n3A_411 : vector<1024x128xf32>
    %select_n3A_424 = arith.select %lt3A_423, %add3A_422, %select_n3A_411 : vector<1024x128xi1>, vector<1024x128xf32>
    %jit3A_425 = arith.constant 3.968000e+03 : f32
    %broadcast_in_dim3A_426 = vector.broadcast %jit3A_425 : f32 to vector<1024x128xf32>
    %select_n3A_427 = arith.select %lt3A_423, %broadcast_in_dim3A_426, %select_n3A_414 : vector<1024x128xi1>, vector<1024x128xf32>
    %get3A_428 = arith.constant 4096 : index
    %get3A_429 = arith.constant 0 : index
    %get3A_430 = vector.load %arg4[%get3A_428, %get3A_429] : memref<8192x256xbf16, #tpu.memory_space<vmem>>, vector<2048x256xbf16>
    %dot_general3A_431 = arith.constant dense<0.000000e+00> : vector<1024x2048xf32>
    %dot_general3A_432 = tpu.matmul %get3A_1, %get3A_430, %dot_general3A_431 {dimension_numbers = #tpu.dot_dimension_numbers<[1], [1], [0], [0], [0, 0, 1, 0], [], []>, transpose_lhs_hint = false} : vector<1024x256xbf16>, vector<2048x256xbf16>, vector<1024x2048xf32> -> vector<1024x2048xf32>
    %get3A_433 = arith.constant 4096 : index
    %get3A_434 = vector.load %arg2[%get3A_433] : memref<8192xf32, #tpu.memory_space<vmem>>, vector<128xf32>
    %broadcast_in_dim3A_435 = vector.shape_cast %get3A_434 : vector<128xf32> to vector<1x128xf32>
    %add3A_436 = vector.broadcast %get3A_4 : vector<1024x1xf32> to vector<1024x128xf32>
    %add3A_437 = vector.broadcast %broadcast_in_dim3A_435 : vector<1x128xf32> to vector<1024x128xf32>
    %add3A_438 = arith.addf %add3A_436, %add3A_437 : vector<1024x128xf32>
    %slice3A_439 = vector.extract_strided_slice %dot_general3A_432 {offsets = [0, 0], sizes = [1024, 128], strides = [1, 1]} : vector<1024x2048xf32> to vector<1024x128xf32>
    %add3A_440 = arith.addf %add3A_438, %slice3A_439 : vector<1024x128xf32>
    %lt3A_441 = arith.cmpf olt, %add3A_440, %select_n3A_424 : vector<1024x128xf32>
    %select_n3A_442 = arith.select %lt3A_441, %add3A_440, %select_n3A_424 : vector<1024x128xi1>, vector<1024x128xf32>
    %jit3A_443 = arith.constant 4.096000e+03 : f32
    %broadcast_in_dim3A_444 = vector.broadcast %jit3A_443 : f32 to vector<1024x128xf32>
    %select_n3A_445 = arith.select %lt3A_441, %broadcast_in_dim3A_444, %select_n3A_427 : vector<1024x128xi1>, vector<1024x128xf32>
    %get3A_446 = arith.constant 4224 : index
    %get3A_447 = vector.load %arg2[%get3A_446] : memref<8192xf32, #tpu.memory_space<vmem>>, vector<128xf32>
    %broadcast_in_dim3A_448 = vector.shape_cast %get3A_447 : vector<128xf32> to vector<1x128xf32>
    %add3A_449 = vector.broadcast %get3A_4 : vector<1024x1xf32> to vector<1024x128xf32>
    %add3A_450 = vector.broadcast %broadcast_in_dim3A_448 : vector<1x128xf32> to vector<1024x128xf32>
    %add3A_451 = arith.addf %add3A_449, %add3A_450 : vector<1024x128xf32>
    %slice3A_452 = vector.extract_strided_slice %dot_general3A_432 {offsets = [0, 128], sizes = [1024, 128], strides = [1, 1]} : vector<1024x2048xf32> to vector<1024x128xf32>
    %add3A_453 = arith.addf %add3A_451, %slice3A_452 : vector<1024x128xf32>
    %lt3A_454 = arith.cmpf olt, %add3A_453, %select_n3A_442 : vector<1024x128xf32>
    %select_n3A_455 = arith.select %lt3A_454, %add3A_453, %select_n3A_442 : vector<1024x128xi1>, vector<1024x128xf32>
    %jit3A_456 = arith.constant 4.224000e+03 : f32
    %broadcast_in_dim3A_457 = vector.broadcast %jit3A_456 : f32 to vector<1024x128xf32>
    %select_n3A_458 = arith.select %lt3A_454, %broadcast_in_dim3A_457, %select_n3A_445 : vector<1024x128xi1>, vector<1024x128xf32>
    %get3A_459 = arith.constant 4352 : index
    %get3A_460 = vector.load %arg2[%get3A_459] : memref<8192xf32, #tpu.memory_space<vmem>>, vector<128xf32>
    %broadcast_in_dim3A_461 = vector.shape_cast %get3A_460 : vector<128xf32> to vector<1x128xf32>
    %add3A_462 = vector.broadcast %get3A_4 : vector<1024x1xf32> to vector<1024x128xf32>
    %add3A_463 = vector.broadcast %broadcast_in_dim3A_461 : vector<1x128xf32> to vector<1024x128xf32>
    %add3A_464 = arith.addf %add3A_462, %add3A_463 : vector<1024x128xf32>
    %slice3A_465 = vector.extract_strided_slice %dot_general3A_432 {offsets = [0, 256], sizes = [1024, 128], strides = [1, 1]} : vector<1024x2048xf32> to vector<1024x128xf32>
    %add3A_466 = arith.addf %add3A_464, %slice3A_465 : vector<1024x128xf32>
    %lt3A_467 = arith.cmpf olt, %add3A_466, %select_n3A_455 : vector<1024x128xf32>
    %select_n3A_468 = arith.select %lt3A_467, %add3A_466, %select_n3A_455 : vector<1024x128xi1>, vector<1024x128xf32>
    %jit3A_469 = arith.constant 4.352000e+03 : f32
    %broadcast_in_dim3A_470 = vector.broadcast %jit3A_469 : f32 to vector<1024x128xf32>
    %select_n3A_471 = arith.select %lt3A_467, %broadcast_in_dim3A_470, %select_n3A_458 : vector<1024x128xi1>, vector<1024x128xf32>
    %get3A_472 = arith.constant 4480 : index
    %get3A_473 = vector.load %arg2[%get3A_472] : memref<8192xf32, #tpu.memory_space<vmem>>, vector<128xf32>
    %broadcast_in_dim3A_474 = vector.shape_cast %get3A_473 : vector<128xf32> to vector<1x128xf32>
    %add3A_475 = vector.broadcast %get3A_4 : vector<1024x1xf32> to vector<1024x128xf32>
    %add3A_476 = vector.broadcast %broadcast_in_dim3A_474 : vector<1x128xf32> to vector<1024x128xf32>
    %add3A_477 = arith.addf %add3A_475, %add3A_476 : vector<1024x128xf32>
    %slice3A_478 = vector.extract_strided_slice %dot_general3A_432 {offsets = [0, 384], sizes = [1024, 128], strides = [1, 1]} : vector<1024x2048xf32> to vector<1024x128xf32>
    %add3A_479 = arith.addf %add3A_477, %slice3A_478 : vector<1024x128xf32>
    %lt3A_480 = arith.cmpf olt, %add3A_479, %select_n3A_468 : vector<1024x128xf32>
    %select_n3A_481 = arith.select %lt3A_480, %add3A_479, %select_n3A_468 : vector<1024x128xi1>, vector<1024x128xf32>
    %jit3A_482 = arith.constant 4.480000e+03 : f32
    %broadcast_in_dim3A_483 = vector.broadcast %jit3A_482 : f32 to vector<1024x128xf32>
    %select_n3A_484 = arith.select %lt3A_480, %broadcast_in_dim3A_483, %select_n3A_471 : vector<1024x128xi1>, vector<1024x128xf32>
    %get3A_485 = arith.constant 4608 : index
    %get3A_486 = vector.load %arg2[%get3A_485] : memref<8192xf32, #tpu.memory_space<vmem>>, vector<128xf32>
    %broadcast_in_dim3A_487 = vector.shape_cast %get3A_486 : vector<128xf32> to vector<1x128xf32>
    %add3A_488 = vector.broadcast %get3A_4 : vector<1024x1xf32> to vector<1024x128xf32>
    %add3A_489 = vector.broadcast %broadcast_in_dim3A_487 : vector<1x128xf32> to vector<1024x128xf32>
    %add3A_490 = arith.addf %add3A_488, %add3A_489 : vector<1024x128xf32>
    %slice3A_491 = vector.extract_strided_slice %dot_general3A_432 {offsets = [0, 512], sizes = [1024, 128], strides = [1, 1]} : vector<1024x2048xf32> to vector<1024x128xf32>
    %add3A_492 = arith.addf %add3A_490, %slice3A_491 : vector<1024x128xf32>
    %lt3A_493 = arith.cmpf olt, %add3A_492, %select_n3A_481 : vector<1024x128xf32>
    %select_n3A_494 = arith.select %lt3A_493, %add3A_492, %select_n3A_481 : vector<1024x128xi1>, vector<1024x128xf32>
    %jit3A_495 = arith.constant 4.608000e+03 : f32
    %broadcast_in_dim3A_496 = vector.broadcast %jit3A_495 : f32 to vector<1024x128xf32>
    %select_n3A_497 = arith.select %lt3A_493, %broadcast_in_dim3A_496, %select_n3A_484 : vector<1024x128xi1>, vector<1024x128xf32>
    %get3A_498 = arith.constant 4736 : index
    %get3A_499 = vector.load %arg2[%get3A_498] : memref<8192xf32, #tpu.memory_space<vmem>>, vector<128xf32>
    %broadcast_in_dim3A_500 = vector.shape_cast %get3A_499 : vector<128xf32> to vector<1x128xf32>
    %add3A_501 = vector.broadcast %get3A_4 : vector<1024x1xf32> to vector<1024x128xf32>
    %add3A_502 = vector.broadcast %broadcast_in_dim3A_500 : vector<1x128xf32> to vector<1024x128xf32>
    %add3A_503 = arith.addf %add3A_501, %add3A_502 : vector<1024x128xf32>
    %slice3A_504 = vector.extract_strided_slice %dot_general3A_432 {offsets = [0, 640], sizes = [1024, 128], strides = [1, 1]} : vector<1024x2048xf32> to vector<1024x128xf32>
    %add3A_505 = arith.addf %add3A_503, %slice3A_504 : vector<1024x128xf32>
    %lt3A_506 = arith.cmpf olt, %add3A_505, %select_n3A_494 : vector<1024x128xf32>
    %select_n3A_507 = arith.select %lt3A_506, %add3A_505, %select_n3A_494 : vector<1024x128xi1>, vector<1024x128xf32>
    %jit3A_508 = arith.constant 4.736000e+03 : f32
    %broadcast_in_dim3A_509 = vector.broadcast %jit3A_508 : f32 to vector<1024x128xf32>
    %select_n3A_510 = arith.select %lt3A_506, %broadcast_in_dim3A_509, %select_n3A_497 : vector<1024x128xi1>, vector<1024x128xf32>
    %get3A_511 = arith.constant 4864 : index
    %get3A_512 = vector.load %arg2[%get3A_511] : memref<8192xf32, #tpu.memory_space<vmem>>, vector<128xf32>
    %broadcast_in_dim3A_513 = vector.shape_cast %get3A_512 : vector<128xf32> to vector<1x128xf32>
    %add3A_514 = vector.broadcast %get3A_4 : vector<1024x1xf32> to vector<1024x128xf32>
    %add3A_515 = vector.broadcast %broadcast_in_dim3A_513 : vector<1x128xf32> to vector<1024x128xf32>
    %add3A_516 = arith.addf %add3A_514, %add3A_515 : vector<1024x128xf32>
    %slice3A_517 = vector.extract_strided_slice %dot_general3A_432 {offsets = [0, 768], sizes = [1024, 128], strides = [1, 1]} : vector<1024x2048xf32> to vector<1024x128xf32>
    %add3A_518 = arith.addf %add3A_516, %slice3A_517 : vector<1024x128xf32>
    %lt3A_519 = arith.cmpf olt, %add3A_518, %select_n3A_507 : vector<1024x128xf32>
    %select_n3A_520 = arith.select %lt3A_519, %add3A_518, %select_n3A_507 : vector<1024x128xi1>, vector<1024x128xf32>
    %jit3A_521 = arith.constant 4.864000e+03 : f32
    %broadcast_in_dim3A_522 = vector.broadcast %jit3A_521 : f32 to vector<1024x128xf32>
    %select_n3A_523 = arith.select %lt3A_519, %broadcast_in_dim3A_522, %select_n3A_510 : vector<1024x128xi1>, vector<1024x128xf32>
    %get3A_524 = arith.constant 4992 : index
    %get3A_525 = vector.load %arg2[%get3A_524] : memref<8192xf32, #tpu.memory_space<vmem>>, vector<128xf32>
    %broadcast_in_dim3A_526 = vector.shape_cast %get3A_525 : vector<128xf32> to vector<1x128xf32>
    %add3A_527 = vector.broadcast %get3A_4 : vector<1024x1xf32> to vector<1024x128xf32>
    %add3A_528 = vector.broadcast %broadcast_in_dim3A_526 : vector<1x128xf32> to vector<1024x128xf32>
    %add3A_529 = arith.addf %add3A_527, %add3A_528 : vector<1024x128xf32>
    %slice3A_530 = vector.extract_strided_slice %dot_general3A_432 {offsets = [0, 896], sizes = [1024, 128], strides = [1, 1]} : vector<1024x2048xf32> to vector<1024x128xf32>
    %add3A_531 = arith.addf %add3A_529, %slice3A_530 : vector<1024x128xf32>
    %lt3A_532 = arith.cmpf olt, %add3A_531, %select_n3A_520 : vector<1024x128xf32>
    %select_n3A_533 = arith.select %lt3A_532, %add3A_531, %select_n3A_520 : vector<1024x128xi1>, vector<1024x128xf32>
    %jit3A_534 = arith.constant 4.992000e+03 : f32
    %broadcast_in_dim3A_535 = vector.broadcast %jit3A_534 : f32 to vector<1024x128xf32>
    %select_n3A_536 = arith.select %lt3A_532, %broadcast_in_dim3A_535, %select_n3A_523 : vector<1024x128xi1>, vector<1024x128xf32>
    %get3A_537 = arith.constant 5120 : index
    %get3A_538 = vector.load %arg2[%get3A_537] : memref<8192xf32, #tpu.memory_space<vmem>>, vector<128xf32>
    %broadcast_in_dim3A_539 = vector.shape_cast %get3A_538 : vector<128xf32> to vector<1x128xf32>
    %add3A_540 = vector.broadcast %get3A_4 : vector<1024x1xf32> to vector<1024x128xf32>
    %add3A_541 = vector.broadcast %broadcast_in_dim3A_539 : vector<1x128xf32> to vector<1024x128xf32>
    %add3A_542 = arith.addf %add3A_540, %add3A_541 : vector<1024x128xf32>
    %slice3A_543 = vector.extract_strided_slice %dot_general3A_432 {offsets = [0, 1024], sizes = [1024, 128], strides = [1, 1]} : vector<1024x2048xf32> to vector<1024x128xf32>
    %add3A_544 = arith.addf %add3A_542, %slice3A_543 : vector<1024x128xf32>
    %lt3A_545 = arith.cmpf olt, %add3A_544, %select_n3A_533 : vector<1024x128xf32>
    %select_n3A_546 = arith.select %lt3A_545, %add3A_544, %select_n3A_533 : vector<1024x128xi1>, vector<1024x128xf32>
    %jit3A_547 = arith.constant 5.120000e+03 : f32
    %broadcast_in_dim3A_548 = vector.broadcast %jit3A_547 : f32 to vector<1024x128xf32>
    %select_n3A_549 = arith.select %lt3A_545, %broadcast_in_dim3A_548, %select_n3A_536 : vector<1024x128xi1>, vector<1024x128xf32>
    %get3A_550 = arith.constant 5248 : index
    %get3A_551 = vector.load %arg2[%get3A_550] : memref<8192xf32, #tpu.memory_space<vmem>>, vector<128xf32>
    %broadcast_in_dim3A_552 = vector.shape_cast %get3A_551 : vector<128xf32> to vector<1x128xf32>
    %add3A_553 = vector.broadcast %get3A_4 : vector<1024x1xf32> to vector<1024x128xf32>
    %add3A_554 = vector.broadcast %broadcast_in_dim3A_552 : vector<1x128xf32> to vector<1024x128xf32>
    %add3A_555 = arith.addf %add3A_553, %add3A_554 : vector<1024x128xf32>
    %slice3A_556 = vector.extract_strided_slice %dot_general3A_432 {offsets = [0, 1152], sizes = [1024, 128], strides = [1, 1]} : vector<1024x2048xf32> to vector<1024x128xf32>
    %add3A_557 = arith.addf %add3A_555, %slice3A_556 : vector<1024x128xf32>
    %lt3A_558 = arith.cmpf olt, %add3A_557, %select_n3A_546 : vector<1024x128xf32>
    %select_n3A_559 = arith.select %lt3A_558, %add3A_557, %select_n3A_546 : vector<1024x128xi1>, vector<1024x128xf32>
    %jit3A_560 = arith.constant 5.248000e+03 : f32
    %broadcast_in_dim3A_561 = vector.broadcast %jit3A_560 : f32 to vector<1024x128xf32>
    %select_n3A_562 = arith.select %lt3A_558, %broadcast_in_dim3A_561, %select_n3A_549 : vector<1024x128xi1>, vector<1024x128xf32>
    %get3A_563 = arith.constant 5376 : index
    %get3A_564 = vector.load %arg2[%get3A_563] : memref<8192xf32, #tpu.memory_space<vmem>>, vector<128xf32>
    %broadcast_in_dim3A_565 = vector.shape_cast %get3A_564 : vector<128xf32> to vector<1x128xf32>
    %add3A_566 = vector.broadcast %get3A_4 : vector<1024x1xf32> to vector<1024x128xf32>
    %add3A_567 = vector.broadcast %broadcast_in_dim3A_565 : vector<1x128xf32> to vector<1024x128xf32>
    %add3A_568 = arith.addf %add3A_566, %add3A_567 : vector<1024x128xf32>
    %slice3A_569 = vector.extract_strided_slice %dot_general3A_432 {offsets = [0, 1280], sizes = [1024, 128], strides = [1, 1]} : vector<1024x2048xf32> to vector<1024x128xf32>
    %add3A_570 = arith.addf %add3A_568, %slice3A_569 : vector<1024x128xf32>
    %lt3A_571 = arith.cmpf olt, %add3A_570, %select_n3A_559 : vector<1024x128xf32>
    %select_n3A_572 = arith.select %lt3A_571, %add3A_570, %select_n3A_559 : vector<1024x128xi1>, vector<1024x128xf32>
    %jit3A_573 = arith.constant 5.376000e+03 : f32
    %broadcast_in_dim3A_574 = vector.broadcast %jit3A_573 : f32 to vector<1024x128xf32>
    %select_n3A_575 = arith.select %lt3A_571, %broadcast_in_dim3A_574, %select_n3A_562 : vector<1024x128xi1>, vector<1024x128xf32>
    %get3A_576 = arith.constant 5504 : index
    %get3A_577 = vector.load %arg2[%get3A_576] : memref<8192xf32, #tpu.memory_space<vmem>>, vector<128xf32>
    %broadcast_in_dim3A_578 = vector.shape_cast %get3A_577 : vector<128xf32> to vector<1x128xf32>
    %add3A_579 = vector.broadcast %get3A_4 : vector<1024x1xf32> to vector<1024x128xf32>
    %add3A_580 = vector.broadcast %broadcast_in_dim3A_578 : vector<1x128xf32> to vector<1024x128xf32>
    %add3A_581 = arith.addf %add3A_579, %add3A_580 : vector<1024x128xf32>
    %slice3A_582 = vector.extract_strided_slice %dot_general3A_432 {offsets = [0, 1408], sizes = [1024, 128], strides = [1, 1]} : vector<1024x2048xf32> to vector<1024x128xf32>
    %add3A_583 = arith.addf %add3A_581, %slice3A_582 : vector<1024x128xf32>
    %lt3A_584 = arith.cmpf olt, %add3A_583, %select_n3A_572 : vector<1024x128xf32>
    %select_n3A_585 = arith.select %lt3A_584, %add3A_583, %select_n3A_572 : vector<1024x128xi1>, vector<1024x128xf32>
    %jit3A_586 = arith.constant 5.504000e+03 : f32
    %broadcast_in_dim3A_587 = vector.broadcast %jit3A_586 : f32 to vector<1024x128xf32>
    %select_n3A_588 = arith.select %lt3A_584, %broadcast_in_dim3A_587, %select_n3A_575 : vector<1024x128xi1>, vector<1024x128xf32>
    %get3A_589 = arith.constant 5632 : index
    %get3A_590 = vector.load %arg2[%get3A_589] : memref<8192xf32, #tpu.memory_space<vmem>>, vector<128xf32>
    %broadcast_in_dim3A_591 = vector.shape_cast %get3A_590 : vector<128xf32> to vector<1x128xf32>
    %add3A_592 = vector.broadcast %get3A_4 : vector<1024x1xf32> to vector<1024x128xf32>
    %add3A_593 = vector.broadcast %broadcast_in_dim3A_591 : vector<1x128xf32> to vector<1024x128xf32>
    %add3A_594 = arith.addf %add3A_592, %add3A_593 : vector<1024x128xf32>
    %slice3A_595 = vector.extract_strided_slice %dot_general3A_432 {offsets = [0, 1536], sizes = [1024, 128], strides = [1, 1]} : vector<1024x2048xf32> to vector<1024x128xf32>
    %add3A_596 = arith.addf %add3A_594, %slice3A_595 : vector<1024x128xf32>
    %lt3A_597 = arith.cmpf olt, %add3A_596, %select_n3A_585 : vector<1024x128xf32>
    %select_n3A_598 = arith.select %lt3A_597, %add3A_596, %select_n3A_585 : vector<1024x128xi1>, vector<1024x128xf32>
    %jit3A_599 = arith.constant 5.632000e+03 : f32
    %broadcast_in_dim3A_600 = vector.broadcast %jit3A_599 : f32 to vector<1024x128xf32>
    %select_n3A_601 = arith.select %lt3A_597, %broadcast_in_dim3A_600, %select_n3A_588 : vector<1024x128xi1>, vector<1024x128xf32>
    %get3A_602 = arith.constant 5760 : index
    %get3A_603 = vector.load %arg2[%get3A_602] : memref<8192xf32, #tpu.memory_space<vmem>>, vector<128xf32>
    %broadcast_in_dim3A_604 = vector.shape_cast %get3A_603 : vector<128xf32> to vector<1x128xf32>
    %add3A_605 = vector.broadcast %get3A_4 : vector<1024x1xf32> to vector<1024x128xf32>
    %add3A_606 = vector.broadcast %broadcast_in_dim3A_604 : vector<1x128xf32> to vector<1024x128xf32>
    %add3A_607 = arith.addf %add3A_605, %add3A_606 : vector<1024x128xf32>
    %slice3A_608 = vector.extract_strided_slice %dot_general3A_432 {offsets = [0, 1664], sizes = [1024, 128], strides = [1, 1]} : vector<1024x2048xf32> to vector<1024x128xf32>
    %add3A_609 = arith.addf %add3A_607, %slice3A_608 : vector<1024x128xf32>
    %lt3A_610 = arith.cmpf olt, %add3A_609, %select_n3A_598 : vector<1024x128xf32>
    %select_n3A_611 = arith.select %lt3A_610, %add3A_609, %select_n3A_598 : vector<1024x128xi1>, vector<1024x128xf32>
    %jit3A_612 = arith.constant 5.760000e+03 : f32
    %broadcast_in_dim3A_613 = vector.broadcast %jit3A_612 : f32 to vector<1024x128xf32>
    %select_n3A_614 = arith.select %lt3A_610, %broadcast_in_dim3A_613, %select_n3A_601 : vector<1024x128xi1>, vector<1024x128xf32>
    %get3A_615 = arith.constant 5888 : index
    %get3A_616 = vector.load %arg2[%get3A_615] : memref<8192xf32, #tpu.memory_space<vmem>>, vector<128xf32>
    %broadcast_in_dim3A_617 = vector.shape_cast %get3A_616 : vector<128xf32> to vector<1x128xf32>
    %add3A_618 = vector.broadcast %get3A_4 : vector<1024x1xf32> to vector<1024x128xf32>
    %add3A_619 = vector.broadcast %broadcast_in_dim3A_617 : vector<1x128xf32> to vector<1024x128xf32>
    %add3A_620 = arith.addf %add3A_618, %add3A_619 : vector<1024x128xf32>
    %slice3A_621 = vector.extract_strided_slice %dot_general3A_432 {offsets = [0, 1792], sizes = [1024, 128], strides = [1, 1]} : vector<1024x2048xf32> to vector<1024x128xf32>
    %add3A_622 = arith.addf %add3A_620, %slice3A_621 : vector<1024x128xf32>
    %lt3A_623 = arith.cmpf olt, %add3A_622, %select_n3A_611 : vector<1024x128xf32>
    %select_n3A_624 = arith.select %lt3A_623, %add3A_622, %select_n3A_611 : vector<1024x128xi1>, vector<1024x128xf32>
    %jit3A_625 = arith.constant 5.888000e+03 : f32
    %broadcast_in_dim3A_626 = vector.broadcast %jit3A_625 : f32 to vector<1024x128xf32>
    %select_n3A_627 = arith.select %lt3A_623, %broadcast_in_dim3A_626, %select_n3A_614 : vector<1024x128xi1>, vector<1024x128xf32>
    %get3A_628 = arith.constant 6016 : index
    %get3A_629 = vector.load %arg2[%get3A_628] : memref<8192xf32, #tpu.memory_space<vmem>>, vector<128xf32>
    %broadcast_in_dim3A_630 = vector.shape_cast %get3A_629 : vector<128xf32> to vector<1x128xf32>
    %add3A_631 = vector.broadcast %get3A_4 : vector<1024x1xf32> to vector<1024x128xf32>
    %add3A_632 = vector.broadcast %broadcast_in_dim3A_630 : vector<1x128xf32> to vector<1024x128xf32>
    %add3A_633 = arith.addf %add3A_631, %add3A_632 : vector<1024x128xf32>
    %slice3A_634 = vector.extract_strided_slice %dot_general3A_432 {offsets = [0, 1920], sizes = [1024, 128], strides = [1, 1]} : vector<1024x2048xf32> to vector<1024x128xf32>
    %add3A_635 = arith.addf %add3A_633, %slice3A_634 : vector<1024x128xf32>
    %lt3A_636 = arith.cmpf olt, %add3A_635, %select_n3A_624 : vector<1024x128xf32>
    %select_n3A_637 = arith.select %lt3A_636, %add3A_635, %select_n3A_624 : vector<1024x128xi1>, vector<1024x128xf32>
    %jit3A_638 = arith.constant 6.016000e+03 : f32
    %broadcast_in_dim3A_639 = vector.broadcast %jit3A_638 : f32 to vector<1024x128xf32>
    %select_n3A_640 = arith.select %lt3A_636, %broadcast_in_dim3A_639, %select_n3A_627 : vector<1024x128xi1>, vector<1024x128xf32>
    %get3A_641 = arith.constant 6144 : index
    %get3A_642 = arith.constant 0 : index
    %get3A_643 = vector.load %arg4[%get3A_641, %get3A_642] : memref<8192x256xbf16, #tpu.memory_space<vmem>>, vector<2048x256xbf16>
    %dot_general3A_644 = arith.constant dense<0.000000e+00> : vector<1024x2048xf32>
    %dot_general3A_645 = tpu.matmul %get3A_1, %get3A_643, %dot_general3A_644 {dimension_numbers = #tpu.dot_dimension_numbers<[1], [1], [0], [0], [0, 0, 1, 0], [], []>, transpose_lhs_hint = false} : vector<1024x256xbf16>, vector<2048x256xbf16>, vector<1024x2048xf32> -> vector<1024x2048xf32>
    %get3A_646 = arith.constant 6144 : index
    %get3A_647 = vector.load %arg2[%get3A_646] : memref<8192xf32, #tpu.memory_space<vmem>>, vector<128xf32>
    %broadcast_in_dim3A_648 = vector.shape_cast %get3A_647 : vector<128xf32> to vector<1x128xf32>
    %add3A_649 = vector.broadcast %get3A_4 : vector<1024x1xf32> to vector<1024x128xf32>
    %add3A_650 = vector.broadcast %broadcast_in_dim3A_648 : vector<1x128xf32> to vector<1024x128xf32>
    %add3A_651 = arith.addf %add3A_649, %add3A_650 : vector<1024x128xf32>
    %slice3A_652 = vector.extract_strided_slice %dot_general3A_645 {offsets = [0, 0], sizes = [1024, 128], strides = [1, 1]} : vector<1024x2048xf32> to vector<1024x128xf32>
    %add3A_653 = arith.addf %add3A_651, %slice3A_652 : vector<1024x128xf32>
    %lt3A_654 = arith.cmpf olt, %add3A_653, %select_n3A_637 : vector<1024x128xf32>
    %select_n3A_655 = arith.select %lt3A_654, %add3A_653, %select_n3A_637 : vector<1024x128xi1>, vector<1024x128xf32>
    %jit3A_656 = arith.constant 6.144000e+03 : f32
    %broadcast_in_dim3A_657 = vector.broadcast %jit3A_656 : f32 to vector<1024x128xf32>
    %select_n3A_658 = arith.select %lt3A_654, %broadcast_in_dim3A_657, %select_n3A_640 : vector<1024x128xi1>, vector<1024x128xf32>
    %get3A_659 = arith.constant 6272 : index
    %get3A_660 = vector.load %arg2[%get3A_659] : memref<8192xf32, #tpu.memory_space<vmem>>, vector<128xf32>
    %broadcast_in_dim3A_661 = vector.shape_cast %get3A_660 : vector<128xf32> to vector<1x128xf32>
    %add3A_662 = vector.broadcast %get3A_4 : vector<1024x1xf32> to vector<1024x128xf32>
    %add3A_663 = vector.broadcast %broadcast_in_dim3A_661 : vector<1x128xf32> to vector<1024x128xf32>
    %add3A_664 = arith.addf %add3A_662, %add3A_663 : vector<1024x128xf32>
    %slice3A_665 = vector.extract_strided_slice %dot_general3A_645 {offsets = [0, 128], sizes = [1024, 128], strides = [1, 1]} : vector<1024x2048xf32> to vector<1024x128xf32>
    %add3A_666 = arith.addf %add3A_664, %slice3A_665 : vector<1024x128xf32>
    %lt3A_667 = arith.cmpf olt, %add3A_666, %select_n3A_655 : vector<1024x128xf32>
    %select_n3A_668 = arith.select %lt3A_667, %add3A_666, %select_n3A_655 : vector<1024x128xi1>, vector<1024x128xf32>
    %jit3A_669 = arith.constant 6.272000e+03 : f32
    %broadcast_in_dim3A_670 = vector.broadcast %jit3A_669 : f32 to vector<1024x128xf32>
    %select_n3A_671 = arith.select %lt3A_667, %broadcast_in_dim3A_670, %select_n3A_658 : vector<1024x128xi1>, vector<1024x128xf32>
    %get3A_672 = arith.constant 6400 : index
    %get3A_673 = vector.load %arg2[%get3A_672] : memref<8192xf32, #tpu.memory_space<vmem>>, vector<128xf32>
    %broadcast_in_dim3A_674 = vector.shape_cast %get3A_673 : vector<128xf32> to vector<1x128xf32>
    %add3A_675 = vector.broadcast %get3A_4 : vector<1024x1xf32> to vector<1024x128xf32>
    %add3A_676 = vector.broadcast %broadcast_in_dim3A_674 : vector<1x128xf32> to vector<1024x128xf32>
    %add3A_677 = arith.addf %add3A_675, %add3A_676 : vector<1024x128xf32>
    %slice3A_678 = vector.extract_strided_slice %dot_general3A_645 {offsets = [0, 256], sizes = [1024, 128], strides = [1, 1]} : vector<1024x2048xf32> to vector<1024x128xf32>
    %add3A_679 = arith.addf %add3A_677, %slice3A_678 : vector<1024x128xf32>
    %lt3A_680 = arith.cmpf olt, %add3A_679, %select_n3A_668 : vector<1024x128xf32>
    %select_n3A_681 = arith.select %lt3A_680, %add3A_679, %select_n3A_668 : vector<1024x128xi1>, vector<1024x128xf32>
    %jit3A_682 = arith.constant 6.400000e+03 : f32
    %broadcast_in_dim3A_683 = vector.broadcast %jit3A_682 : f32 to vector<1024x128xf32>
    %select_n3A_684 = arith.select %lt3A_680, %broadcast_in_dim3A_683, %select_n3A_671 : vector<1024x128xi1>, vector<1024x128xf32>
    %get3A_685 = arith.constant 6528 : index
    %get3A_686 = vector.load %arg2[%get3A_685] : memref<8192xf32, #tpu.memory_space<vmem>>, vector<128xf32>
    %broadcast_in_dim3A_687 = vector.shape_cast %get3A_686 : vector<128xf32> to vector<1x128xf32>
    %add3A_688 = vector.broadcast %get3A_4 : vector<1024x1xf32> to vector<1024x128xf32>
    %add3A_689 = vector.broadcast %broadcast_in_dim3A_687 : vector<1x128xf32> to vector<1024x128xf32>
    %add3A_690 = arith.addf %add3A_688, %add3A_689 : vector<1024x128xf32>
    %slice3A_691 = vector.extract_strided_slice %dot_general3A_645 {offsets = [0, 384], sizes = [1024, 128], strides = [1, 1]} : vector<1024x2048xf32> to vector<1024x128xf32>
    %add3A_692 = arith.addf %add3A_690, %slice3A_691 : vector<1024x128xf32>
    %lt3A_693 = arith.cmpf olt, %add3A_692, %select_n3A_681 : vector<1024x128xf32>
    %select_n3A_694 = arith.select %lt3A_693, %add3A_692, %select_n3A_681 : vector<1024x128xi1>, vector<1024x128xf32>
    %jit3A_695 = arith.constant 6.528000e+03 : f32
    %broadcast_in_dim3A_696 = vector.broadcast %jit3A_695 : f32 to vector<1024x128xf32>
    %select_n3A_697 = arith.select %lt3A_693, %broadcast_in_dim3A_696, %select_n3A_684 : vector<1024x128xi1>, vector<1024x128xf32>
    %get3A_698 = arith.constant 6656 : index
    %get3A_699 = vector.load %arg2[%get3A_698] : memref<8192xf32, #tpu.memory_space<vmem>>, vector<128xf32>
    %broadcast_in_dim3A_700 = vector.shape_cast %get3A_699 : vector<128xf32> to vector<1x128xf32>
    %add3A_701 = vector.broadcast %get3A_4 : vector<1024x1xf32> to vector<1024x128xf32>
    %add3A_702 = vector.broadcast %broadcast_in_dim3A_700 : vector<1x128xf32> to vector<1024x128xf32>
    %add3A_703 = arith.addf %add3A_701, %add3A_702 : vector<1024x128xf32>
    %slice3A_704 = vector.extract_strided_slice %dot_general3A_645 {offsets = [0, 512], sizes = [1024, 128], strides = [1, 1]} : vector<1024x2048xf32> to vector<1024x128xf32>
    %add3A_705 = arith.addf %add3A_703, %slice3A_704 : vector<1024x128xf32>
    %lt3A_706 = arith.cmpf olt, %add3A_705, %select_n3A_694 : vector<1024x128xf32>
    %select_n3A_707 = arith.select %lt3A_706, %add3A_705, %select_n3A_694 : vector<1024x128xi1>, vector<1024x128xf32>
    %jit3A_708 = arith.constant 6.656000e+03 : f32
    %broadcast_in_dim3A_709 = vector.broadcast %jit3A_708 : f32 to vector<1024x128xf32>
    %select_n3A_710 = arith.select %lt3A_706, %broadcast_in_dim3A_709, %select_n3A_697 : vector<1024x128xi1>, vector<1024x128xf32>
    %get3A_711 = arith.constant 6784 : index
    %get3A_712 = vector.load %arg2[%get3A_711] : memref<8192xf32, #tpu.memory_space<vmem>>, vector<128xf32>
    %broadcast_in_dim3A_713 = vector.shape_cast %get3A_712 : vector<128xf32> to vector<1x128xf32>
    %add3A_714 = vector.broadcast %get3A_4 : vector<1024x1xf32> to vector<1024x128xf32>
    %add3A_715 = vector.broadcast %broadcast_in_dim3A_713 : vector<1x128xf32> to vector<1024x128xf32>
    %add3A_716 = arith.addf %add3A_714, %add3A_715 : vector<1024x128xf32>
    %slice3A_717 = vector.extract_strided_slice %dot_general3A_645 {offsets = [0, 640], sizes = [1024, 128], strides = [1, 1]} : vector<1024x2048xf32> to vector<1024x128xf32>
    %add3A_718 = arith.addf %add3A_716, %slice3A_717 : vector<1024x128xf32>
    %lt3A_719 = arith.cmpf olt, %add3A_718, %select_n3A_707 : vector<1024x128xf32>
    %select_n3A_720 = arith.select %lt3A_719, %add3A_718, %select_n3A_707 : vector<1024x128xi1>, vector<1024x128xf32>
    %jit3A_721 = arith.constant 6.784000e+03 : f32
    %broadcast_in_dim3A_722 = vector.broadcast %jit3A_721 : f32 to vector<1024x128xf32>
    %select_n3A_723 = arith.select %lt3A_719, %broadcast_in_dim3A_722, %select_n3A_710 : vector<1024x128xi1>, vector<1024x128xf32>
    %get3A_724 = arith.constant 6912 : index
    %get3A_725 = vector.load %arg2[%get3A_724] : memref<8192xf32, #tpu.memory_space<vmem>>, vector<128xf32>
    %broadcast_in_dim3A_726 = vector.shape_cast %get3A_725 : vector<128xf32> to vector<1x128xf32>
    %add3A_727 = vector.broadcast %get3A_4 : vector<1024x1xf32> to vector<1024x128xf32>
    %add3A_728 = vector.broadcast %broadcast_in_dim3A_726 : vector<1x128xf32> to vector<1024x128xf32>
    %add3A_729 = arith.addf %add3A_727, %add3A_728 : vector<1024x128xf32>
    %slice3A_730 = vector.extract_strided_slice %dot_general3A_645 {offsets = [0, 768], sizes = [1024, 128], strides = [1, 1]} : vector<1024x2048xf32> to vector<1024x128xf32>
    %add3A_731 = arith.addf %add3A_729, %slice3A_730 : vector<1024x128xf32>
    %lt3A_732 = arith.cmpf olt, %add3A_731, %select_n3A_720 : vector<1024x128xf32>
    %select_n3A_733 = arith.select %lt3A_732, %add3A_731, %select_n3A_720 : vector<1024x128xi1>, vector<1024x128xf32>
    %jit3A_734 = arith.constant 6.912000e+03 : f32
    %broadcast_in_dim3A_735 = vector.broadcast %jit3A_734 : f32 to vector<1024x128xf32>
    %select_n3A_736 = arith.select %lt3A_732, %broadcast_in_dim3A_735, %select_n3A_723 : vector<1024x128xi1>, vector<1024x128xf32>
    %get3A_737 = arith.constant 7040 : index
    %get3A_738 = vector.load %arg2[%get3A_737] : memref<8192xf32, #tpu.memory_space<vmem>>, vector<128xf32>
    %broadcast_in_dim3A_739 = vector.shape_cast %get3A_738 : vector<128xf32> to vector<1x128xf32>
    %add3A_740 = vector.broadcast %get3A_4 : vector<1024x1xf32> to vector<1024x128xf32>
    %add3A_741 = vector.broadcast %broadcast_in_dim3A_739 : vector<1x128xf32> to vector<1024x128xf32>
    %add3A_742 = arith.addf %add3A_740, %add3A_741 : vector<1024x128xf32>
    %slice3A_743 = vector.extract_strided_slice %dot_general3A_645 {offsets = [0, 896], sizes = [1024, 128], strides = [1, 1]} : vector<1024x2048xf32> to vector<1024x128xf32>
    %add3A_744 = arith.addf %add3A_742, %slice3A_743 : vector<1024x128xf32>
    %lt3A_745 = arith.cmpf olt, %add3A_744, %select_n3A_733 : vector<1024x128xf32>
    %select_n3A_746 = arith.select %lt3A_745, %add3A_744, %select_n3A_733 : vector<1024x128xi1>, vector<1024x128xf32>
    %jit3A_747 = arith.constant 7.040000e+03 : f32
    %broadcast_in_dim3A_748 = vector.broadcast %jit3A_747 : f32 to vector<1024x128xf32>
    %select_n3A_749 = arith.select %lt3A_745, %broadcast_in_dim3A_748, %select_n3A_736 : vector<1024x128xi1>, vector<1024x128xf32>
    %get3A_750 = arith.constant 7168 : index
    %get3A_751 = vector.load %arg2[%get3A_750] : memref<8192xf32, #tpu.memory_space<vmem>>, vector<128xf32>
    %broadcast_in_dim3A_752 = vector.shape_cast %get3A_751 : vector<128xf32> to vector<1x128xf32>
    %add3A_753 = vector.broadcast %get3A_4 : vector<1024x1xf32> to vector<1024x128xf32>
    %add3A_754 = vector.broadcast %broadcast_in_dim3A_752 : vector<1x128xf32> to vector<1024x128xf32>
    %add3A_755 = arith.addf %add3A_753, %add3A_754 : vector<1024x128xf32>
    %slice3A_756 = vector.extract_strided_slice %dot_general3A_645 {offsets = [0, 1024], sizes = [1024, 128], strides = [1, 1]} : vector<1024x2048xf32> to vector<1024x128xf32>
    %add3A_757 = arith.addf %add3A_755, %slice3A_756 : vector<1024x128xf32>
    %lt3A_758 = arith.cmpf olt, %add3A_757, %select_n3A_746 : vector<1024x128xf32>
    %select_n3A_759 = arith.select %lt3A_758, %add3A_757, %select_n3A_746 : vector<1024x128xi1>, vector<1024x128xf32>
    %jit3A_760 = arith.constant 7.168000e+03 : f32
    %broadcast_in_dim3A_761 = vector.broadcast %jit3A_760 : f32 to vector<1024x128xf32>
    %select_n3A_762 = arith.select %lt3A_758, %broadcast_in_dim3A_761, %select_n3A_749 : vector<1024x128xi1>, vector<1024x128xf32>
    %get3A_763 = arith.constant 7296 : index
    %get3A_764 = vector.load %arg2[%get3A_763] : memref<8192xf32, #tpu.memory_space<vmem>>, vector<128xf32>
    %broadcast_in_dim3A_765 = vector.shape_cast %get3A_764 : vector<128xf32> to vector<1x128xf32>
    %add3A_766 = vector.broadcast %get3A_4 : vector<1024x1xf32> to vector<1024x128xf32>
    %add3A_767 = vector.broadcast %broadcast_in_dim3A_765 : vector<1x128xf32> to vector<1024x128xf32>
    %add3A_768 = arith.addf %add3A_766, %add3A_767 : vector<1024x128xf32>
    %slice3A_769 = vector.extract_strided_slice %dot_general3A_645 {offsets = [0, 1152], sizes = [1024, 128], strides = [1, 1]} : vector<1024x2048xf32> to vector<1024x128xf32>
    %add3A_770 = arith.addf %add3A_768, %slice3A_769 : vector<1024x128xf32>
    %lt3A_771 = arith.cmpf olt, %add3A_770, %select_n3A_759 : vector<1024x128xf32>
    %select_n3A_772 = arith.select %lt3A_771, %add3A_770, %select_n3A_759 : vector<1024x128xi1>, vector<1024x128xf32>
    %jit3A_773 = arith.constant 7.296000e+03 : f32
    %broadcast_in_dim3A_774 = vector.broadcast %jit3A_773 : f32 to vector<1024x128xf32>
    %select_n3A_775 = arith.select %lt3A_771, %broadcast_in_dim3A_774, %select_n3A_762 : vector<1024x128xi1>, vector<1024x128xf32>
    %get3A_776 = arith.constant 7424 : index
    %get3A_777 = vector.load %arg2[%get3A_776] : memref<8192xf32, #tpu.memory_space<vmem>>, vector<128xf32>
    %broadcast_in_dim3A_778 = vector.shape_cast %get3A_777 : vector<128xf32> to vector<1x128xf32>
    %add3A_779 = vector.broadcast %get3A_4 : vector<1024x1xf32> to vector<1024x128xf32>
    %add3A_780 = vector.broadcast %broadcast_in_dim3A_778 : vector<1x128xf32> to vector<1024x128xf32>
    %add3A_781 = arith.addf %add3A_779, %add3A_780 : vector<1024x128xf32>
    %slice3A_782 = vector.extract_strided_slice %dot_general3A_645 {offsets = [0, 1280], sizes = [1024, 128], strides = [1, 1]} : vector<1024x2048xf32> to vector<1024x128xf32>
    %add3A_783 = arith.addf %add3A_781, %slice3A_782 : vector<1024x128xf32>
    %lt3A_784 = arith.cmpf olt, %add3A_783, %select_n3A_772 : vector<1024x128xf32>
    %select_n3A_785 = arith.select %lt3A_784, %add3A_783, %select_n3A_772 : vector<1024x128xi1>, vector<1024x128xf32>
    %jit3A_786 = arith.constant 7.424000e+03 : f32
    %broadcast_in_dim3A_787 = vector.broadcast %jit3A_786 : f32 to vector<1024x128xf32>
    %select_n3A_788 = arith.select %lt3A_784, %broadcast_in_dim3A_787, %select_n3A_775 : vector<1024x128xi1>, vector<1024x128xf32>
    %get3A_789 = arith.constant 7552 : index
    %get3A_790 = vector.load %arg2[%get3A_789] : memref<8192xf32, #tpu.memory_space<vmem>>, vector<128xf32>
    %broadcast_in_dim3A_791 = vector.shape_cast %get3A_790 : vector<128xf32> to vector<1x128xf32>
    %add3A_792 = vector.broadcast %get3A_4 : vector<1024x1xf32> to vector<1024x128xf32>
    %add3A_793 = vector.broadcast %broadcast_in_dim3A_791 : vector<1x128xf32> to vector<1024x128xf32>
    %add3A_794 = arith.addf %add3A_792, %add3A_793 : vector<1024x128xf32>
    %slice3A_795 = vector.extract_strided_slice %dot_general3A_645 {offsets = [0, 1408], sizes = [1024, 128], strides = [1, 1]} : vector<1024x2048xf32> to vector<1024x128xf32>
    %add3A_796 = arith.addf %add3A_794, %slice3A_795 : vector<1024x128xf32>
    %lt3A_797 = arith.cmpf olt, %add3A_796, %select_n3A_785 : vector<1024x128xf32>
    %select_n3A_798 = arith.select %lt3A_797, %add3A_796, %select_n3A_785 : vector<1024x128xi1>, vector<1024x128xf32>
    %jit3A_799 = arith.constant 7.552000e+03 : f32
    %broadcast_in_dim3A_800 = vector.broadcast %jit3A_799 : f32 to vector<1024x128xf32>
    %select_n3A_801 = arith.select %lt3A_797, %broadcast_in_dim3A_800, %select_n3A_788 : vector<1024x128xi1>, vector<1024x128xf32>
    %get3A_802 = arith.constant 7680 : index
    %get3A_803 = vector.load %arg2[%get3A_802] : memref<8192xf32, #tpu.memory_space<vmem>>, vector<128xf32>
    %broadcast_in_dim3A_804 = vector.shape_cast %get3A_803 : vector<128xf32> to vector<1x128xf32>
    %add3A_805 = vector.broadcast %get3A_4 : vector<1024x1xf32> to vector<1024x128xf32>
    %add3A_806 = vector.broadcast %broadcast_in_dim3A_804 : vector<1x128xf32> to vector<1024x128xf32>
    %add3A_807 = arith.addf %add3A_805, %add3A_806 : vector<1024x128xf32>
    %slice3A_808 = vector.extract_strided_slice %dot_general3A_645 {offsets = [0, 1536], sizes = [1024, 128], strides = [1, 1]} : vector<1024x2048xf32> to vector<1024x128xf32>
    %add3A_809 = arith.addf %add3A_807, %slice3A_808 : vector<1024x128xf32>
    %lt3A_810 = arith.cmpf olt, %add3A_809, %select_n3A_798 : vector<1024x128xf32>
    %select_n3A_811 = arith.select %lt3A_810, %add3A_809, %select_n3A_798 : vector<1024x128xi1>, vector<1024x128xf32>
    %jit3A_812 = arith.constant 7.680000e+03 : f32
    %broadcast_in_dim3A_813 = vector.broadcast %jit3A_812 : f32 to vector<1024x128xf32>
    %select_n3A_814 = arith.select %lt3A_810, %broadcast_in_dim3A_813, %select_n3A_801 : vector<1024x128xi1>, vector<1024x128xf32>
    %get3A_815 = arith.constant 7808 : index
    %get3A_816 = vector.load %arg2[%get3A_815] : memref<8192xf32, #tpu.memory_space<vmem>>, vector<128xf32>
    %broadcast_in_dim3A_817 = vector.shape_cast %get3A_816 : vector<128xf32> to vector<1x128xf32>
    %add3A_818 = vector.broadcast %get3A_4 : vector<1024x1xf32> to vector<1024x128xf32>
    %add3A_819 = vector.broadcast %broadcast_in_dim3A_817 : vector<1x128xf32> to vector<1024x128xf32>
    %add3A_820 = arith.addf %add3A_818, %add3A_819 : vector<1024x128xf32>
    %slice3A_821 = vector.extract_strided_slice %dot_general3A_645 {offsets = [0, 1664], sizes = [1024, 128], strides = [1, 1]} : vector<1024x2048xf32> to vector<1024x128xf32>
    %add3A_822 = arith.addf %add3A_820, %slice3A_821 : vector<1024x128xf32>
    %lt3A_823 = arith.cmpf olt, %add3A_822, %select_n3A_811 : vector<1024x128xf32>
    %select_n3A_824 = arith.select %lt3A_823, %add3A_822, %select_n3A_811 : vector<1024x128xi1>, vector<1024x128xf32>
    %jit3A_825 = arith.constant 7.808000e+03 : f32
    %broadcast_in_dim3A_826 = vector.broadcast %jit3A_825 : f32 to vector<1024x128xf32>
    %select_n3A_827 = arith.select %lt3A_823, %broadcast_in_dim3A_826, %select_n3A_814 : vector<1024x128xi1>, vector<1024x128xf32>
    %get3A_828 = arith.constant 7936 : index
    %get3A_829 = vector.load %arg2[%get3A_828] : memref<8192xf32, #tpu.memory_space<vmem>>, vector<128xf32>
    %broadcast_in_dim3A_830 = vector.shape_cast %get3A_829 : vector<128xf32> to vector<1x128xf32>
    %add3A_831 = vector.broadcast %get3A_4 : vector<1024x1xf32> to vector<1024x128xf32>
    %add3A_832 = vector.broadcast %broadcast_in_dim3A_830 : vector<1x128xf32> to vector<1024x128xf32>
    %add3A_833 = arith.addf %add3A_831, %add3A_832 : vector<1024x128xf32>
    %slice3A_834 = vector.extract_strided_slice %dot_general3A_645 {offsets = [0, 1792], sizes = [1024, 128], strides = [1, 1]} : vector<1024x2048xf32> to vector<1024x128xf32>
    %add3A_835 = arith.addf %add3A_833, %slice3A_834 : vector<1024x128xf32>
    %lt3A_836 = arith.cmpf olt, %add3A_835, %select_n3A_824 : vector<1024x128xf32>
    %select_n3A_837 = arith.select %lt3A_836, %add3A_835, %select_n3A_824 : vector<1024x128xi1>, vector<1024x128xf32>
    %jit3A_838 = arith.constant 7.936000e+03 : f32
    %broadcast_in_dim3A_839 = vector.broadcast %jit3A_838 : f32 to vector<1024x128xf32>
    %select_n3A_840 = arith.select %lt3A_836, %broadcast_in_dim3A_839, %select_n3A_827 : vector<1024x128xi1>, vector<1024x128xf32>
    %get3A_841 = arith.constant 8064 : index
    %get3A_842 = vector.load %arg2[%get3A_841] : memref<8192xf32, #tpu.memory_space<vmem>>, vector<128xf32>
    %broadcast_in_dim3A_843 = vector.shape_cast %get3A_842 : vector<128xf32> to vector<1x128xf32>
    %add3A_844 = vector.broadcast %get3A_4 : vector<1024x1xf32> to vector<1024x128xf32>
    %add3A_845 = vector.broadcast %broadcast_in_dim3A_843 : vector<1x128xf32> to vector<1024x128xf32>
    %add3A_846 = arith.addf %add3A_844, %add3A_845 : vector<1024x128xf32>
    %slice3A_847 = vector.extract_strided_slice %dot_general3A_645 {offsets = [0, 1920], sizes = [1024, 128], strides = [1, 1]} : vector<1024x2048xf32> to vector<1024x128xf32>
    %add3A_848 = arith.addf %add3A_846, %slice3A_847 : vector<1024x128xf32>
    %lt3A_849 = arith.cmpf olt, %add3A_848, %select_n3A_837 : vector<1024x128xf32>
    %select_n3A_850 = arith.select %lt3A_849, %add3A_848, %select_n3A_837 : vector<1024x128xi1>, vector<1024x128xf32>
    %jit3A_851 = arith.constant 8.064000e+03 : f32
    %broadcast_in_dim3A_852 = vector.broadcast %jit3A_851 : f32 to vector<1024x128xf32>
    %select_n3A_853 = arith.select %lt3A_849, %broadcast_in_dim3A_852, %select_n3A_840 : vector<1024x128xi1>, vector<1024x128xf32>
    %iota3A = tpu.iota {dimensions = array<i32: 1>} : vector<1024x128xi32>
    %convert_element_type3A = arith.sitofp %iota3A : vector<1024x128xi32> to vector<1024x128xf32>
    %reduce_min3A = arith.constant dense<0x7F800000> : vector<1024xf32>
    %reduce_min3A_854 = vector.multi_reduction <minimumf>, %select_n3A_850, %reduce_min3A [1] : vector<1024x128xf32> to vector<1024xf32>
    %broadcast_in_dim3A_855 = vector.shape_cast %reduce_min3A_854 : vector<1024xf32> to vector<1024x1xf32>
    %eq3A = vector.broadcast %broadcast_in_dim3A_855 : vector<1024x1xf32> to vector<1024x128xf32>
    %eq3A_856 = arith.cmpf oeq, %select_n3A_850, %eq3A : vector<1024x128xf32>
    %add3A_857 = arith.addf %select_n3A_853, %convert_element_type3A : vector<1024x128xf32>
    %jit3A_858 = arith.constant 0x7F800000 : f32
    %broadcast_in_dim3A_859 = vector.broadcast %jit3A_858 : f32 to vector<1024x128xf32>
    %select_n3A_860 = arith.select %eq3A_856, %add3A_857, %broadcast_in_dim3A_859 : vector<1024x128xi1>, vector<1024x128xf32>
    %reduce_min3A_861 = arith.constant dense<0x7F800000> : vector<1024xf32>
    %reduce_min3A_862 = vector.multi_reduction <minimumf>, %select_n3A_860, %reduce_min3A_861 [1] : vector<1024x128xf32> to vector<1024xf32>
    %convert_element_type3A_863 = arith.fptosi %reduce_min3A_862 : vector<1024xf32> to vector<1024xi32>
    %swap3A = arith.constant 0 : index
    %swap3A_864 = vector.load %arg5[%swap3A] : memref<1024xi32, #tpu.memory_space<vmem>>, vector<1024xi32>
    tpu.vector_store %arg5[%swap3A], %convert_element_type3A_863 {strides = array<i32>} : memref<1024xi32, #tpu.memory_space<vmem>>, vector<1024xi32>,
    %eq3A_865 = arith.constant 0 : i32
    %eq3A_866 = arith.cmpi eq, %arg0, %eq3A_865 : i32
    %convert_element_type3A_867 = arith.extui %eq3A_866 : i1 to i32
    %cond3A = arith.constant 0 : i32
    %cond3A_868 = arith.cmpi ne, %convert_element_type3A_867, %cond3A : i32
    scf.if %cond3A_868 {
      %broadcast_in_dim3A_880 = arith.constant 0.000000e+00 : f32
      %broadcast_in_dim3A_881 = vector.broadcast %broadcast_in_dim3A_880 : f32 to vector<1x1xf32>
      %swap3A_882 = arith.constant 0 : index
      %swap3A_883 = arith.constant 0 : index
      %swap3A_884 = vector.load %arg6[%swap3A_882, %swap3A_883] : memref<1x1xf32, #tpu.memory_space<vmem>>, vector<1x1xf32>
      tpu.vector_store %arg6[%swap3A_882, %swap3A_883], %broadcast_in_dim3A_881 {strides = array<i32>} : memref<1x1xf32, #tpu.memory_space<vmem>>, vector<1x1xf32>,
    } else {
    }
    %get3A_869 = arith.constant 0 : index
    %get3A_870 = arith.constant 0 : index
    %get3A_871 = vector.load %arg6[%get3A_869, %get3A_870] : memref<1x1xf32, #tpu.memory_space<vmem>>, vector<1x1xf32>
    %reduce_sum3A = vector.shape_cast %reduce_min3A_854 : vector<1024xf32> to vector<1x1024xf32>
    %reduce_sum3A_872 = arith.constant dense<0.000000e+00> : vector<1xf32>
    %reduce_sum3A_873 = vector.multi_reduction <add>, %reduce_sum3A, %reduce_sum3A_872 [1] : vector<1x1024xf32> to vector<1xf32>
    %reduce_sum3A_874 = vector.shape_cast %reduce_sum3A_873 : vector<1xf32> to vector<1x1xf32>
    %reduce_sum3A_875 = vector.extract %reduce_sum3A_874[0, 0] : f32 from vector<1x1xf32>
    %reshape3A = vector.broadcast %reduce_sum3A_875 : f32 to vector<1x1xf32>
    %add3A_876 = arith.addf %get3A_871, %reshape3A : vector<1x1xf32>
    %swap3A_877 = arith.constant 0 : index
    %swap3A_878 = arith.constant 0 : index
    %swap3A_879 = vector.load %arg6[%swap3A_877, %swap3A_878] : memref<1x1xf32, #tpu.memory_space<vmem>>, vector<1x1xf32>
    tpu.vector_store %arg6[%swap3A_877, %swap3A_878], %add3A_876 {strides = array<i32>} : memref<1x1xf32, #tpu.memory_space<vmem>>, vector<1x1xf32>,
    return
  }
  func.func @transform_0(%arg0: i32) -> (i32, i32) {
    %c0_i32 = arith.constant 0 : i32
    %c0_i32_0 = arith.constant 0 : i32
    return %arg0, %c0_i32 : i32, i32
  }
  func.func @transform_1(%arg0: i32) -> i32 {
    %c0_i32 = arith.constant 0 : i32
    %c0_i32_0 = arith.constant 0 : i32
    return %c0_i32 : i32
  }
  func.func @transform_2(%arg0: i32) -> (i32, i32) {
    %c0_i32 = arith.constant 0 : i32
    %c0_i32_0 = arith.constant 0 : i32
    return %arg0, %c0_i32 : i32, i32
  }
  func.func @transform_3(%arg0: i32) -> (i32, i32) {
    %c0_i32 = arith.constant 0 : i32
    %c0_i32_0 = arith.constant 0 : i32
    %c0_i32_1 = arith.constant 0 : i32
    return %c0_i32, %c0_i32_0 : i32, i32
  }
  func.func @transform_4(%arg0: i32) -> i32 {
    %c0_i32 = arith.constant 0 : i32
    return %arg0 : i32
  }
  func.func @transform_5(%arg0: i32) -> (i32, i32) {
    %c0_i32 = arith.constant 0 : i32
    %c0_i32_0 = arith.constant 0 : i32
    %c0_i32_1 = arith.constant 0 : i32
    return %c0_i32, %c0_i32_0 : i32, i32
  }
}

</mosaic_0001>

<sc_bundles>
// kernel: kernel.4.cloned.1.call-start
scs
__scs_entry_jumppad:
0x0: {  	(pc) =	sbr.rel $0x88, $3  }
0x1: {  	(tag) =	ssettag $0x0;
	lr =	simm.s32 $0x1  }
0x2: {  	[smem:$0x3F9F] =	sst lr;
	_ =	strace $0xD0000000  }
0x3: {  	_ = 	snop  }
0x4: {  	_ = 	snop  }
0x5: {  	_ = 	snop  }
0x6: {  	_ = 	snop  }
0x7: {  	_ = 	snop  }
__scs_overlays_trampoline_lowered:
0x8: {  	[smem:$0x3FAE] =	sst s0  }
0x9: {  	[smem:$0x3FAF] =	sst s1  }
0xa: {  	[smem:$0x3FB0] =	sst s2  }
0xb: {  	[smem:$0x3FB1] =	sst s3  }
0xc: {  	[smem:$0x3FB2] =	sst s4  }
0xd: {  	[smem:$0x3FB3] =	sst s5  }
0xe: {  	[smem:$0x3FB4] =	sst s6  }
0xf: {  	[smem:$0x3FB5] =	sst s7  }
0x10: {  	[smem:$0x3FB6] =	sst s8  }
0x11: {  	[smem:$0x3FB7] =	sst s9;
	s0 =	simm.s32 @!p0 $0x0  }
0x12: {  	s1 =	sld [smem:$0x3F9D];
	s0 =	simm.s32 @p0 $0x1  }
0x13: {  	[smem:$0x3FB8] =	sst s0;
	s0 =	simm.s32 @!p1 $0x0  }
0x14: {  	s2 =	sld [smem:$0x3F9C];
	s0 =	simm.s32 @p1 $0x1  }
0x15: {  	[smem:$0x3FB9] =	sst s0;
	s0 =	simm.s32 @!p2 $0x0  }
0x16: {  	s3 =	sld [smem:$0x3FDB];
	s0 =	simm.s32 @p2 $0x1  }
0x17: {  	s4 =	simm.s32 $0x1BF5;
	[smem:$0x3FBB] =	sst s0  }
0x18: {  	s0 =	sld [smem:$0x3F9E];
	_ =	swait.ge [sflag:s4], $0x0  }
0x19: {  	s7 =	sld [smem:$0x3F9F]  }
0x1a: {  	s8 =	sadd.s32 $0xFFFFE003, lr  }
0x1b: {  	s9 =	sadd.s32 $0xFFFFFEF7, lr;
	s5 =	simm.s32 $0xFFFFFFFF;
	p2 =	slt.u32 s8, $0xFFFFF086  }
0x1c: {  	p1 =	slt.u32 s9, $0xF7A;
	s5 =	simm.s32 @!p2 $0x0  }
0x1d: {  	s5 =	simm.s32 @p1 $0x1;
	p0 =	seq.s32 s7, s2  }
0x1e: {  	s7 =	smul.u32 @!p0 $0xF7A, s2;
	p2 =	seq.s32 @!p0 s5, $0x0  }
0x1f: {  	s9 =	smul.u32 $0xF7A, s1;
	s8 =	simm.s32 @!p0 $0x1BF5;
	p2 =	por !p2, p0  }
0x20: {  	[sflag:s8] =	ssyncset.s32 @!p0 $0xFFFFF086;
	s6 =	sadd.s32 @!p0 s3, s7;
	s7 =	simm.s32 @!p0 $0x108  }
0x21: {  	s3 =	sadd.s32 s3, s9;
	s6 =	sadd.s32 @!p0 $0x88, s6;
	s7 =	simm.s32 @p2 $0x1082  }
0x22: {  	[simem:s7], [sflag:s8] =	dma.local @!p0 [hbm:s6], $0xF7A  }
0x23: {  	s9 =	sor.u32 $0xD0000000, s2;
	s6 =	simm.s32 $0x108;
	_ =	swait.ge @!p0 [sflag:s8], $0x0  }
0x24: {  	s3 =	sadd.s32 $0x88, s3;
	s6 =	simm.s32 @!p1 $0x1082;
	[sflag:s4] =	ssyncset.s32 $0xFFFFF086  }
0x25: {  	[simem:s6], [sflag:s4] =	dma.local [hbm:s3], $0xF7A  }
0x26: {  	[smem:$0x3F9F] =	sst s1;
	(tag) =	ssettag s2;
	_ =	strace s9  }
0x27: {  	s1 =	sld [smem:$0x3FAF]  }
0x28: {  	s2 =	sld [smem:$0x3FB0]  }
0x29: {  	s4 =	sld [smem:$0x3FB2]  }
0x2a: {  	p0 =	seq.s32 s5, $0x0;
	s5 =	sld [smem:$0x3FB3]  }
0x2b: {  	s6 =	sld [smem:$0x3FB4]  }
0x2c: {  	s7 =	sld [smem:$0x3FB5]  }
0x2d: {  	s3 =	simm.s32 $0x108;
	s8 =	sld [smem:$0x3FB6]  }
0x2e: {  	s3 =	simm.s32 @!p0 $0x1082;
	s9 =	sld [smem:$0x3FB7]  }
0x2f: {  	lr =	sadd.s32 s0, s3;
	s0 =	sld [smem:$0x3FAE]  }
0x30: {  	s3 =	sld [smem:$0x3FB1]  }
0x31: {  	[smem:$0x3FBA] =	sst s10  }
0x32: {  	s10 =	sld [smem:$0x3FB8];
	_ =	sdelay $0x3  }
0x33: {  	p0 =	seq.s32 s10, $0x1;
	s10 =	sld [smem:$0x3FBA];
	_ =	sdelay $0x3  }
0x34: {  	[smem:$0x3FBA] =	sst s10  }
0x35: {  	s10 =	sld [smem:$0x3FB9];
	_ =	sdelay $0x3  }
0x36: {  	p1 =	seq.s32 s10, $0x1;
	s10 =	sld [smem:$0x3FBA];
	_ =	sdelay $0x3  }
0x37: {  	[smem:$0x3FBA] =	sst s10  }
0x38: {  	s10 =	sld [smem:$0x3FBB]  }
0x39: {  	_ = 	snop;
	(pc) =	sbr.ind lr, $3  }
0x3a: {  	_ = 	snop  }
0x3b: {  	_ = 	snop  }
0x3c: {  	p2 =	seq.s32 s10, $0x1;
	s10 =	sld [smem:$0x3FBA]  }
0x3d: {  	_ =	shalt  }
0x3e: {  	_ =	shalt  }
0x3f: {  	_ =	shalt  }
0x40: {  	_ =	shalt  }
0x41: {  	_ =	shalt  }
0x42: {  	_ =	shalt  }
0x43: {  	_ =	shalt  }
0x44: {  	_ =	shalt  }
0x45: {  	_ =	shalt  }
0x46: {  	_ =	shalt  }
0x47: {  	_ =	shalt  }
0x48: {  	_ =	shalt  }
0x49: {  	_ =	shalt  }
0x4a: {  	_ =	shalt  }
0x4b: {  	_ =	shalt  }
0x4c: {  	_ =	shalt  }
0x4d: {  	_ =	shalt  }
0x4e: {  	_ =	shalt  }
0x4f: {  	_ =	shalt  }
0x50: {  	_ =	shalt  }
0x51: {  	_ =	shalt  }
0x52: {  	_ =	shalt  }
0x53: {  	_ =	shalt  }
0x54: {  	_ =	shalt  }
0x55: {  	_ =	shalt  }
0x56: {  	_ =	shalt  }
0x57: {  	_ =	shalt  }
0x58: {  	_ =	shalt  }
0x59: {  	_ =	shalt  }
0x5a: {  	_ =	shalt  }
0x5b: {  	_ =	shalt  }
0x5c: {  	_ =	shalt  }
0x5d: {  	_ =	shalt  }
0x5e: {  	_ =	shalt  }
0x5f: {  	_ =	shalt  }
0x60: {  	_ =	shalt  }
0x61: {  	_ =	shalt  }
0x62: {  	_ =	shalt  }
0x63: {  	_ =	shalt  }
0x64: {  	_ =	shalt  }
0x65: {  	_ =	shalt  }
0x66: {  	_ =	shalt  }
0x67: {  	_ =	shalt  }
0x68: {  	_ =	shalt  }
0x69: {  	_ =	shalt  }
0x6a: {  	_ =	shalt  }
0x6b: {  	_ =	shalt  }
0x6c: {  	_ =	shalt  }
0x6d: {  	_ =	shalt  }
0x6e: {  	_ =	shalt  }
0x6f: {  	_ =	shalt  }
0x70: {  	_ =	shalt  }
0x71: {  	_ =	shalt  }
0x72: {  	_ =	shalt  }
0x73: {  	_ =	shalt  }
0x74: {  	_ =	shalt  }
0x75: {  	_ =	shalt  }
0x76: {  	_ =	shalt  }
0x77: {  	_ =	shalt  }
0x78: {  	_ =	shalt  }
0x79: {  	_ =	shalt  }
0x7a: {  	_ =	shalt  }
0x7b: {  	_ =	shalt  }
0x7c: {  	_ =	shalt  }
0x7d: {  	_ =	shalt  }
0x7e: {  	_ =	shalt  }
0x7f: {  	_ =	shalt  }
0x80: {  	_ =	shalt  }
0x81: {  	_ =	shalt  }
0x82: {  	_ =	shalt  }
0x83: {  	_ =	shalt  }
0x84: {  	_ =	shalt  }
0x85: {  	_ =	shalt  }
0x86: {  	_ =	shalt  }
0x87: {  	_ =	shalt  }
.Lfunc_end0:
.L_simem_size_0:
called_computation_lowered:
.L_overlay_start_0:
0x88: {  	s2 =	sld [smem:$0x3FD9]  }
0x89: {  	s3 =	sld [smem:$0x3FFE];
	_ =	sdelay $0x1  }
0x8a: {  	s1 =	srdreg.scid  }
0x8b: {  	s0 =	sand.u32 $0x1, s1  }
0x8c: {  	s14 =	sshll.u32 s0, $0xA;
	s2 =	sadd.s32 s3, s2  }
0x8d: {  	s2 =	sadd.s32 s2, s14  }
0x8e: {  	[smem:$0x3FC6] =	sst s2  }
0x8f: {  	_ = 	snop  }
0x90: {  	s2 =	sld [smem:$0x3FD0];
	_ =	sdelay $0x2  }
0x91: {  	s4 =	simm.s32 $0xA;
	s5 =	simm.s32 $0x10;
	s15 =	sld [smem:$0x3FC8]  }
0x92: {  	[smem:s5], [sflag:s4] =	dma.local [hbm:s2], $0x1  }
0x93: {  	_ =	swait.eq [sflag:s4], $0x1  }
0x94: {  	[sflag:s4] =	ssyncset.done $0x0  }
0x95: {  	[sflag:s4] =	ssyncadd.s32 $0xFFFFFFFF  }
0x96: {  	s16 =	sld [smem:$0x10];
	(tm) =	ssettm $0x1  }
0x97: {  	s17 =	sld [smem:$0x3FFB];
	_ =	sdelay $0x3  }
0x98: {  	_ =	strace s17  }
0x99: {  	s4 =	sld [smem:$0x3FFC];
	_ =	sdelay $0x3  }
0x9a: {  	_ =	strace s4  }
0x9b: {  	s4 =	sld [smem:$0x3FFD];
	_ =	sdelay $0x3  }
0x9c: {  	_ =	strace s4  }
0x9d: {  	_ =	strace $0x8FFFFFFF  }
0x9e: {  	s18 =	sld [smem:$0x3FDB];
	_ =	sdelay $0x1  }
0x9f: {  	s19 =	simm.s32 $_scs_section_size  }
0xa0: {  	s6 =	simm.s32 $_size__tile_overlayer_lowered;
	s7 =	simm.s32 $_tile_overlayer_lowered  }
0xa1: {  	s22 =	simm.s32 $0x1BFF;
	s21 =	sshll.u32 s7, $0x1;
	s4 =	sadd.s32 s19, s18  }
0xa2: {  	s8 =	simm.s32 $0x0;
	s20 =	sshll.u32 s6, $0x1;
	s6 =	sadd.s32 s21, s4  }
0xa3: {  	[timem:s8], [sflag:s22] =	dma.local [hbm:s6], s20  }
0xa4: {  	_ =	swait.ge [sflag:s22], s20  }
0xa5: {  	s5 =	ssub.s32 $0x0, s20;
	[sflag:s22] =	ssyncset.done $0x0  }
0xa6: {  	[sflag:s22] =	ssyncadd.s32 s5;
	_ =	sdelay $0x1  }
0xa7: {  	s23 =	simm.s32 $0x1B8B  }
0xa8: {  	_ =	swait.ge [sflag:s23], $0x1  }
0xa9: {  	[sflag:s23] =	ssyncset.done $0x0  }
0xaa: {  	s25 =	simm.s32 $0x1B8E;
	s24 =	sld [smem:$0x3FFE];
	[sflag:s23] =	ssyncadd.s32 $0xFFFFFFFF  }
0xab: {  	s26 =	simm.s32 $execute0_lowered;
	[smem:$0x3FD2] =	sst s25  }
0xac: {  	s6 =	sshll.u32 s26, $0x1;
	_ =	strace $0x80000046;
	[dreg:$0x1] =	wrdreg $0xFFFFFFFF  }
0xad: {  	s28 =	simm.s32 $_size_execute0_lowered;
	s4 =	sadd.s32 s4, s6;
	[dreg:$0x0] =	wrdreg $0x0  }
0xae: {  	s6 =	sshll.u32 s28, $0x1;
	[dreg:$0x2] =	wrdreg s4  }
0xaf: {  	[dreg:$0x3] =	wrdreg s6  }
0xb0: {  	[dreg:$0x4] =	wrdreg $0xC0  }
0xb1: {  	_ =	task [dreg:s8], $0x5FFFF  }
0xb2: {  	[dreg:$0x1] =	wrdreg $0xFFFFFFFF  }
0xb3: {  	[dreg:$0x0] =	wrdreg $0x60  }
0xb4: {  	[dreg:$0x2] =	wrdreg s15  }
0xb5: {  	[dreg:$0x3] =	wrdreg s24  }
0xb6: {  	[dreg:$0x4] =	wrdreg s16  }
0xb7: {  	[dreg:$0x5] =	wrdreg $0x9  }
0xb8: {  	_ =	task.clear_ibuf [dreg:s8], $0x6FFFF;
	_ =	strace $0x90000046  }
0xb9: {  	s29 =	simm.s32 $0x9;
	_ =	strace $0x80000048  }
0xba: {  	_ =	swait.ge [sflag:s29], $0x1  }
0xbb: {  	[sflag:s29] =	ssyncadd.s32 $0xFFFFFFFF  }
0xbc: {  	_ =	strace $0x90000048  }
0xbd: {  	_ =	sfence  }
0xbe: {  	s30 =	sld [smem:$0x0];
	_ =	sdelay $0x2  }
0xbf: {  	s31 =	sshll.u32 s1, $0xD;
	s1 =	sshrl.u32 s1, $0x2  }
0xc0: {  	s3 =	sand.u32 $0x4000, s31;
	s1 =	sadd.s32 s1, s30  }
0xc1: {  	s0 =	sor.u32 s3, s0;
	s1 =	sshll.u32 s1, $0x11  }
0xc2: {  	s0 =	sor.u32 s1, s0  }
0xc3: {  	s0 =	sadd.s32 $0x8F2B, s0  }
0xc4: {  	[sflag:s0] =	ssyncadd.remote.s32 $0x1  }
0xc5: {  	_ =	sfence.sel $0xFFFF  }
0xc6: {  	[dreg:$0x0] =	wrdreg $0xFFFFFFFF;
	(pc) =	sbr.abs _section_cstart, $3  }
0xc7: {  	[dreg:$0x1] =	wrdreg $0xFFFFFFFF  }
0xc8: {  	_ =	task.clear_ibuf [dreg:s8], $0x2FFFF;
	_ =	strace $0x9FFFFFFF  }
0xc9: {  	(tm) =	ssettm $0x7FFFFFFF  }
tec
execute0_lowered:
.L_overlay_start_1:
0x0: {  	(tag) =	ssettag $0x1  }
0x1: {  	s1 =	rddreg [dreg:$0x0]  }
0x2: {  	s0 =	srdreg.scid;
	s2 =	rddreg [dreg:$0x1]  }
0x3: {  	s3 =	stileid.u32;
	s4 =	rddreg [dreg:$0x2]  }
0x4: {  	s16 =	simm.s32 $0x1;
	s18 =	simm.s32 $0xA80;
	s19 =	simm.s32 $0x1280  }
0x5: {  	s20 =	simm.s32 $0x1A80;
	s21 =	simm.s32 $0x2280;
	s22 =	simm.s32 $0x2A80  }
0x6: {  	s28 =	simm.s32 $0x5280;
	s29 =	simm.s32 $0x5A80;
	s30 =	simm.s32 $0x6280  }
0x7: {  	s31 =	simm.s32 $0x6A80;
	s8 =	simm.s32 $0x8A80;
	s9 =	simm.s32 $0x9280  }
0x8: {  	s10 =	simm.s32 $0x9A80;
	s11 =	simm.s32 $0xA280;
	s12 =	simm.s32 $0xAA80  }
0x9: {  	s13 =	simm.s32 $0xB280;
	s0 =	sand.u32 $0x1, s0;
	s3 =	sshll.u32 s3, $0x1  }
0xa: {  	s14 =	simm.s32 $0xBA80;
	s15 =	simm.s32 $0xC280;
	s5 =	sor.u32 s0, s3  }
0xb: {  	s3 =	simm.s32 $0x0;
	s0 =	ssub.s32 $0x2, s0;
	s6 =	smul.u32 $0x48, s5  }
0xc: {  	[smem:$0x7FF] =	sst s3;
	s7 =	smul.u32 $0x24000, s5;
	s25 =	sshrl.u32 s0, $0x1  }
0xd: {  	s5 =	smul.u32 $0x4800, s5;
	_ =	strace $0x80000047;
	s0 =	ssub.s32 s0, s25  }
0xe: {  	s25 =	simm.s32 $0x4280;
	s2 =	sadd.s32 s6, s2;
	s23 =	sshrl.u32 s7, $0x3  }
0xf: {  	s24 =	sadd.s32 s4, s5;
	s5 =	simm.s32 $0x2;
	s7 =	simm.s32 $0x8280  }
0x10: {  	s6 =	simm.s32 $0xCA80;
	s2 =	sadd.s32 $0x200, s2;
	s4 =	sadd.s32 s4, s23  }
0x11: {  	v2 =	vlaneseq.u32;
	[dreg:$0x5] =	wrdreg s24;
	s23 =	simm.s32 $0x3280;
	s24 =	simm.s32 $0x3A80  }
0x12: {  	vm0 =	vmmov $0xffff;
	v1 =	vshrl.u32 v2, $0x3;
	[dreg:$0x4] =	wrdreg s2;
	s26 =	sadd.s32 $0x2400, s4;
	s4 =	smax.u32 s0, $0x1  }
0x13: {  	v0 =	vand.u32 $0x7, v2;
	v2 =	vor.u32 $0x8, v2;
	v1 =	vmul.u32 $0x8, v1;
	s2 =	simm.s32 $0x7280;
	[dreg:$0x6] =	wrdreg s26;
	s26 =	simm.s32 $0x4A80  }
.LBB2_1:
0x14: {  	s17 =	rddreg [dreg:$0x4]  }
0x15: {  	[tilespmem:s3], [sflag:$0x2] =	stream.linear.gather [hbm4b:s17+s3], $0x240, $0x38;
	[tilespmem:$0x12280] =	vst v63  }
0x16: {  	_ =	swait.ge [sflag:s5], $0x240  }
0x17: {  	[sflag:s5] =	ssyncset.done $0x0  }
0x18: {  	[sflag:s5] =	ssyncadd.s32 $0xFFFFFDC0  }
0x19: {  	v3 =	vld [tilespmem:$0x0];
	_ =	sdelay $0x4  }
0x1a: {  	v4 =	vshll.u32 v3, $0x1  }
0x1b: {  	v3 =	vand.u32 $0x7, v3;
	v4 =	vand.u32 $0xFFFFFFF0, v4  }
0x1c: {  	v3 =	vor.u32 v3, v4  }
0x1d: {  	v4 =	vperm.xlane v3, v0;
	_ =	sdelay $0x1  }
0x1e: {  	v3 =	vperm.xlane v3, v2;
	v4 =	vadd.s32 v1, v4;
	_ =	sdelay $0x1  }
0x1f: {  	v3 =	vadd.s32 v1, v3;
	_ =	sdelay $0x1  }
0x20: {  	s0 =	simm.s32 $0x280  }
0x21: {  	[tilespmem:s0], [sflag:$0x1] =	stream.indirect_vreg.gather [hbm4b:s1+s3], $0x80, v4, vm0, $0xb8;
	[tilespmem:$0x12280] =	vst v63  }
0x22: {  	_ = 	snop  }
0x23: {  	[tilespmem:s18], [sflag:$0x1] =	stream.indirect_vreg.gather [hbm4b:s1+s3], $0x80, v3, vm0, $0xb8;
	[tilespmem:$0x12280] =	vst v63  }
0x24: {  	v3 =	vld [tilespmem:$0x10];
	_ =	sdelay $0x4  }
0x25: {  	v29 =	vshll.u32 v3, $0x1  }
0x26: {  	v3 =	vand.u32 $0x7, v3;
	v4 =	vand.u32 $0xFFFFFFF0, v29  }
0x27: {  	v3 =	vor.u32 v3, v4  }
0x28: {  	v4 =	vperm.xlane v3, v0;
	_ =	sdelay $0x1  }
0x29: {  	v3 =	vperm.xlane v3, v2;
	v4 =	vadd.s32 v1, v4;
	_ =	sdelay $0x1  }
0x2a: {  	v3 =	vadd.s32 v1, v3;
	_ =	sdelay $0x2  }
0x2b: {  	[tilespmem:s19], [sflag:$0x1] =	stream.indirect_vreg.gather [hbm4b:s1+s3], $0x80, v4, vm0, $0xb8;
	[tilespmem:$0x12280] =	vst v63  }
0x2c: {  	_ = 	snop  }
0x2d: {  	[tilespmem:s20], [sflag:$0x1] =	stream.indirect_vreg.gather [hbm4b:s1+s3], $0x80, v3, vm0, $0xb8;
	[tilespmem:$0x12280] =	vst v63  }
0x2e: {  	v3 =	vld [tilespmem:$0x20];
	_ =	sdelay $0x4  }
0x2f: {  	v30 =	vshll.u32 v3, $0x1  }
0x30: {  	v3 =	vand.u32 $0x7, v3;
	v4 =	vand.u32 $0xFFFFFFF0, v30  }
0x31: {  	v3 =	vor.u32 v3, v4  }
0x32: {  	v4 =	vperm.xlane v3, v0;
	_ =	sdelay $0x1  }
0x33: {  	v3 =	vperm.xlane v3, v2;
	v4 =	vadd.s32 v1, v4;
	_ =	sdelay $0x1  }
0x34: {  	v3 =	vadd.s32 v1, v3;
	_ =	sdelay $0x2  }
0x35: {  	[tilespmem:s21], [sflag:$0x1] =	stream.indirect_vreg.gather [hbm4b:s1+s3], $0x80, v4, vm0, $0xb8;
	[tilespmem:$0x12280] =	vst v63  }
0x36: {  	_ = 	snop  }
0x37: {  	[tilespmem:s22], [sflag:$0x1] =	stream.indirect_vreg.gather [hbm4b:s1+s3], $0x80, v3, vm0, $0xb8;
	[tilespmem:$0x12280] =	vst v63  }
0x38: {  	v3 =	vld [tilespmem:$0x30];
	_ =	sdelay $0x4  }
0x39: {  	v31 =	vshll.u32 v3, $0x1  }
0x3a: {  	v3 =	vand.u32 $0x7, v3;
	v4 =	vand.u32 $0xFFFFFFF0, v31  }
0x3b: {  	v3 =	vor.u32 v3, v4  }
0x3c: {  	v4 =	vperm.xlane v3, v0;
	_ =	sdelay $0x1  }
0x3d: {  	v3 =	vperm.xlane v3, v2;
	v4 =	vadd.s32 v1, v4;
	_ =	sdelay $0x1  }
0x3e: {  	v3 =	vadd.s32 v1, v3;
	_ =	sdelay $0x2  }
0x3f: {  	[tilespmem:s23], [sflag:$0x1] =	stream.indirect_vreg.gather [hbm4b:s1+s3], $0x80, v4, vm0, $0xb8;
	[tilespmem:$0x12280] =	vst v63  }
0x40: {  	_ = 	snop  }
0x41: {  	[tilespmem:s24], [sflag:$0x1] =	stream.indirect_vreg.gather [hbm4b:s1+s3], $0x80, v3, vm0, $0xb8;
	[tilespmem:$0x12280] =	vst v63  }
0x42: {  	v3 =	vld [tilespmem:$0x40];
	_ =	sdelay $0x4  }
0x43: {  	v32 =	vshll.u32 v3, $0x1  }
0x44: {  	v3 =	vand.u32 $0x7, v3;
	v4 =	vand.u32 $0xFFFFFFF0, v32  }
0x45: {  	v3 =	vor.u32 v3, v4  }
0x46: {  	v4 =	vperm.xlane v3, v0;
	_ =	sdelay $0x1  }
0x47: {  	v3 =	vperm.xlane v3, v2;
	v4 =	vadd.s32 v1, v4;
	_ =	sdelay $0x1  }
0x48: {  	v3 =	vadd.s32 v1, v3;
	_ =	sdelay $0x2  }
0x49: {  	[tilespmem:s25], [sflag:$0x1] =	stream.indirect_vreg.gather [hbm4b:s1+s3], $0x80, v4, vm0, $0xb8;
	[tilespmem:$0x12280] =	vst v63  }
0x4a: {  	_ = 	snop  }
0x4b: {  	[tilespmem:s26], [sflag:$0x1] =	stream.indirect_vreg.gather [hbm4b:s1+s3], $0x80, v3, vm0, $0xb8;
	[tilespmem:$0x12280] =	vst v63  }
0x4c: {  	v3 =	vld [tilespmem:$0x50];
	_ =	sdelay $0x4  }
0x4d: {  	v33 =	vshll.u32 v3, $0x1  }
0x4e: {  	v3 =	vand.u32 $0x7, v3;
	v4 =	vand.u32 $0xFFFFFFF0, v33  }
0x4f: {  	v3 =	vor.u32 v3, v4  }
0x50: {  	v4 =	vperm.xlane v3, v0;
	_ =	sdelay $0x1  }
0x51: {  	v3 =	vperm.xlane v3, v2;
	v4 =	vadd.s32 v1, v4;
	_ =	sdelay $0x1  }
0x52: {  	v3 =	vadd.s32 v1, v3;
	_ =	sdelay $0x2  }
0x53: {  	[tilespmem:s28], [sflag:$0x1] =	stream.indirect_vreg.gather [hbm4b:s1+s3], $0x80, v4, vm0, $0xb8;
	[tilespmem:$0x12280] =	vst v63  }
0x54: {  	_ = 	snop  }
0x55: {  	[tilespmem:s29], [sflag:$0x1] =	stream.indirect_vreg.gather [hbm4b:s1+s3], $0x80, v3, vm0, $0xb8;
	[tilespmem:$0x12280] =	vst v63  }
0x56: {  	v3 =	vld [tilespmem:$0x60];
	_ =	sdelay $0x4  }
0x57: {  	v34 =	vshll.u32 v3, $0x1  }
0x58: {  	v3 =	vand.u32 $0x7, v3;
	v4 =	vand.u32 $0xFFFFFFF0, v34  }
0x59: {  	v3 =	vor.u32 v3, v4  }
0x5a: {  	v4 =	vperm.xlane v3, v0;
	_ =	sdelay $0x1  }
0x5b: {  	v3 =	vperm.xlane v3, v2;
	v4 =	vadd.s32 v1, v4;
	_ =	sdelay $0x1  }
0x5c: {  	v3 =	vadd.s32 v1, v3;
	_ =	sdelay $0x2  }
0x5d: {  	[tilespmem:s30], [sflag:$0x1] =	stream.indirect_vreg.gather [hbm4b:s1+s3], $0x80, v4, vm0, $0xb8;
	[tilespmem:$0x12280] =	vst v63  }
0x5e: {  	_ = 	snop  }
0x5f: {  	[tilespmem:s31], [sflag:$0x1] =	stream.indirect_vreg.gather [hbm4b:s1+s3], $0x80, v3, vm0, $0xb8;
	[tilespmem:$0x12280] =	vst v63  }
0x60: {  	v3 =	vld [tilespmem:$0x70];
	_ =	sdelay $0x4  }
0x61: {  	v35 =	vshll.u32 v3, $0x1  }
0x62: {  	v3 =	vand.u32 $0x7, v3;
	v4 =	vand.u32 $0xFFFFFFF0, v35  }
0x63: {  	v3 =	vor.u32 v3, v4  }
0x64: {  	v4 =	vperm.xlane v3, v0;
	_ =	sdelay $0x1  }
0x65: {  	v3 =	vperm.xlane v3, v2;
	v4 =	vadd.s32 v1, v4;
	_ =	sdelay $0x1  }
0x66: {  	v3 =	vadd.s32 v1, v3;
	_ =	sdelay $0x2  }
0x67: {  	[tilespmem:s2], [sflag:$0x1] =	stream.indirect_vreg.gather [hbm4b:s1+s3], $0x80, v4, vm0, $0xb8;
	[tilespmem:$0x12280] =	vst v63  }
0x68: {  	s17 =	simm.s32 $0x7A80  }
0x69: {  	[tilespmem:s17], [sflag:$0x1] =	stream.indirect_vreg.gather [hbm4b:s1+s3], $0x80, v3, vm0, $0xb8;
	[tilespmem:$0x12280] =	vst v63  }
0x6a: {  	v3 =	vld [tilespmem:$0x80];
	_ =	sdelay $0x4  }
0x6b: {  	v36 =	vshll.u32 v3, $0x1  }
0x6c: {  	v3 =	vand.u32 $0x7, v3;
	v4 =	vand.u32 $0xFFFFFFF0, v36  }
0x6d: {  	v3 =	vor.u32 v3, v4  }
0x6e: {  	v4 =	vperm.xlane v3, v0;
	_ =	sdelay $0x1  }
0x6f: {  	v3 =	vperm.xlane v3, v2;
	v4 =	vadd.s32 v1, v4;
	_ =	sdelay $0x1  }
0x70: {  	v3 =	vadd.s32 v1, v3;
	_ =	sdelay $0x2  }
0x71: {  	[tilespmem:s7], [sflag:$0x1] =	stream.indirect_vreg.gather [hbm4b:s1+s3], $0x80, v4, vm0, $0xb8;
	[tilespmem:$0x12280] =	vst v63  }
0x72: {  	_ = 	snop  }
0x73: {  	[tilespmem:s8], [sflag:$0x1] =	stream.indirect_vreg.gather [hbm4b:s1+s3], $0x80, v3, vm0, $0xb8;
	[tilespmem:$0x12280] =	vst v63  }
0x74: {  	v3 =	vld [tilespmem:$0x90];
	_ =	sdelay $0x4  }
0x75: {  	v37 =	vshll.u32 v3, $0x1  }
0x76: {  	v3 =	vand.u32 $0x7, v3;
	v4 =	vand.u32 $0xFFFFFFF0, v37  }
0x77: {  	v3 =	vor.u32 v3, v4  }
0x78: {  	v4 =	vperm.xlane v3, v0;
	_ =	sdelay $0x1  }
0x79: {  	v3 =	vperm.xlane v3, v2;
	v4 =	vadd.s32 v1, v4;
	_ =	sdelay $0x1  }
0x7a: {  	v3 =	vadd.s32 v1, v3;
	_ =	sdelay $0x2  }
0x7b: {  	[tilespmem:s9], [sflag:$0x1] =	stream.indirect_vreg.gather [hbm4b:s1+s3], $0x80, v4, vm0, $0xb8;
	[tilespmem:$0x12280] =	vst v63  }
0x7c: {  	_ = 	snop  }
0x7d: {  	[tilespmem:s10], [sflag:$0x1] =	stream.indirect_vreg.gather [hbm4b:s1+s3], $0x80, v3, vm0, $0xb8;
	[tilespmem:$0x12280] =	vst v63  }
0x7e: {  	v3 =	vld [tilespmem:$0xA0];
	_ =	sdelay $0x4  }
0x7f: {  	v38 =	vshll.u32 v3, $0x1  }
0x80: {  	v3 =	vand.u32 $0x7, v3;
	v4 =	vand.u32 $0xFFFFFFF0, v38  }
0x81: {  	v3 =	vor.u32 v3, v4  }
0x82: {  	v4 =	vperm.xlane v3, v0;
	_ =	sdelay $0x1  }
0x83: {  	v3 =	vperm.xlane v3, v2;
	v4 =	vadd.s32 v1, v4;
	_ =	sdelay $0x1  }
0x84: {  	v3 =	vadd.s32 v1, v3;
	_ =	sdelay $0x2  }
0x85: {  	[tilespmem:s11], [sflag:$0x1] =	stream.indirect_vreg.gather [hbm4b:s1+s3], $0x80, v4, vm0, $0xb8;
	[tilespmem:$0x12280] =	vst v63  }
0x86: {  	_ = 	snop  }
0x87: {  	[tilespmem:s12], [sflag:$0x1] =	stream.indirect_vreg.gather [hbm4b:s1+s3], $0x80, v3, vm0, $0xb8;
	[tilespmem:$0x12280] =	vst v63  }
0x88: {  	v3 =	vld [tilespmem:$0xB0];
	_ =	sdelay $0x4  }
0x89: {  	v39 =	vshll.u32 v3, $0x1  }
0x8a: {  	v3 =	vand.u32 $0x7, v3;
	v4 =	vand.u32 $0xFFFFFFF0, v39  }
0x8b: {  	v3 =	vor.u32 v3, v4  }
0x8c: {  	v4 =	vperm.xlane v3, v0;
	_ =	sdelay $0x1  }
0x8d: {  	v3 =	vperm.xlane v3, v2;
	v4 =	vadd.s32 v1, v4;
	_ =	sdelay $0x1  }
0x8e: {  	v3 =	vadd.s32 v1, v3;
	_ =	sdelay $0x2  }
0x8f: {  	[tilespmem:s13], [sflag:$0x1] =	stream.indirect_vreg.gather [hbm4b:s1+s3], $0x80, v4, vm0, $0xb8;
	[tilespmem:$0x12280] =	vst v63  }
0x90: {  	_ = 	snop  }
0x91: {  	[tilespmem:s14], [sflag:$0x1] =	stream.indirect_vreg.gather [hbm4b:s1+s3], $0x80, v3, vm0, $0xb8;
	[tilespmem:$0x12280] =	vst v63  }
0x92: {  	v3 =	vld [tilespmem:$0xC0];
	_ =	sdelay $0x4  }
0x93: {  	v40 =	vshll.u32 v3, $0x1  }
0x94: {  	v3 =	vand.u32 $0x7, v3;
	v4 =	vand.u32 $0xFFFFFFF0, v40  }
0x95: {  	v3 =	vor.u32 v3, v4  }
0x96: {  	v4 =	vperm.xlane v3, v0;
	_ =	sdelay $0x1  }
0x97: {  	v3 =	vperm.xlane v3, v2;
	v4 =	vadd.s32 v1, v4;
	_ =	sdelay $0x1  }
0x98: {  	v3 =	vadd.s32 v1, v3;
	_ =	sdelay $0x2  }
0x99: {  	[tilespmem:s15], [sflag:$0x1] =	stream.indirect_vreg.gather [hbm4b:s1+s3], $0x80, v4, vm0, $0xb8;
	[tilespmem:$0x12280] =	vst v63  }
0x9a: {  	_ = 	snop  }
0x9b: {  	[tilespmem:s6], [sflag:$0x1] =	stream.indirect_vreg.gather [hbm4b:s1+s3], $0x80, v3, vm0, $0xb8;
	[tilespmem:$0x12280] =	vst v63  }
0x9c: {  	v3 =	vld [tilespmem:$0xD0];
	_ =	sdelay $0x4  }
0x9d: {  	v41 =	vshll.u32 v3, $0x1  }
0x9e: {  	v3 =	vand.u32 $0x7, v3;
	v4 =	vand.u32 $0xFFFFFFF0, v41  }
0x9f: {  	v3 =	vor.u32 v3, v4  }
0xa0: {  	v4 =	vperm.xlane v3, v0;
	_ =	sdelay $0x1  }
0xa1: {  	v3 =	vperm.xlane v3, v2;
	v4 =	vadd.s32 v1, v4;
	_ =	sdelay $0x1  }
0xa2: {  	v3 =	vadd.s32 v1, v3;
	_ =	sdelay $0x1  }
0xa3: {  	s17 =	simm.s32 $0xD280  }
0xa4: {  	[tilespmem:s17], [sflag:$0x1] =	stream.indirect_vreg.gather [hbm4b:s1+s3], $0x80, v4, vm0, $0xb8;
	[tilespmem:$0x12280] =	vst v63  }
0xa5: {  	s17 =	simm.s32 $0xDA80  }
0xa6: {  	[tilespmem:s17], [sflag:$0x1] =	stream.indirect_vreg.gather [hbm4b:s1+s3], $0x80, v3, vm0, $0xb8;
	[tilespmem:$0x12280] =	vst v63  }
0xa7: {  	v3 =	vld [tilespmem:$0xE0];
	_ =	sdelay $0x4  }
0xa8: {  	v42 =	vshll.u32 v3, $0x1  }
0xa9: {  	v3 =	vand.u32 $0x7, v3;
	v4 =	vand.u32 $0xFFFFFFF0, v42  }
0xaa: {  	v3 =	vor.u32 v3, v4  }
0xab: {  	v4 =	vperm.xlane v3, v0;
	_ =	sdelay $0x1  }
0xac: {  	v3 =	vperm.xlane v3, v2;
	v4 =	vadd.s32 v1, v4;
	_ =	sdelay $0x1  }
0xad: {  	v3 =	vadd.s32 v1, v3;
	_ =	sdelay $0x1  }
0xae: {  	s17 =	simm.s32 $0xE280  }
0xaf: {  	[tilespmem:s17], [sflag:$0x1] =	stream.indirect_vreg.gather [hbm4b:s1+s3], $0x80, v4, vm0, $0xb8;
	[tilespmem:$0x12280] =	vst v63  }
0xb0: {  	s17 =	simm.s32 $0xEA80  }
0xb1: {  	[tilespmem:s17], [sflag:$0x1] =	stream.indirect_vreg.gather [hbm4b:s1+s3], $0x80, v3, vm0, $0xb8;
	[tilespmem:$0x12280] =	vst v63  }
0xb2: {  	v3 =	vld [tilespmem:$0xF0];
	_ =	sdelay $0x4  }
0xb3: {  	v43 =	vshll.u32 v3, $0x1  }
0xb4: {  	v3 =	vand.u32 $0x7, v3;
	v4 =	vand.u32 $0xFFFFFFF0, v43  }
0xb5: {  	v3 =	vor.u32 v3, v4  }
0xb6: {  	v4 =	vperm.xlane v3, v0;
	_ =	sdelay $0x1  }
0xb7: {  	v3 =	vperm.xlane v3, v2;
	v4 =	vadd.s32 v1, v4;
	_ =	sdelay $0x1  }
0xb8: {  	v3 =	vadd.s32 v1, v3;
	_ =	sdelay $0x1  }
0xb9: {  	s17 =	simm.s32 $0xF280  }
0xba: {  	[tilespmem:s17], [sflag:$0x1] =	stream.indirect_vreg.gather [hbm4b:s1+s3], $0x80, v4, vm0, $0xb8;
	[tilespmem:$0x12280] =	vst v63  }
0xbb: {  	s17 =	simm.s32 $0xFA80  }
0xbc: {  	[tilespmem:s17], [sflag:$0x1] =	stream.indirect_vreg.gather [hbm4b:s1+s3], $0x80, v3, vm0, $0xb8;
	[tilespmem:$0x12280] =	vst v63  }
0xbd: {  	v3 =	vld [tilespmem:$0x100];
	_ =	sdelay $0x4  }
0xbe: {  	v44 =	vshll.u32 v3, $0x1  }
0xbf: {  	v3 =	vand.u32 $0x7, v3;
	v4 =	vand.u32 $0xFFFFFFF0, v44  }
0xc0: {  	v3 =	vor.u32 v3, v4  }
0xc1: {  	v4 =	vperm.xlane v3, v0;
	_ =	sdelay $0x1  }
0xc2: {  	v3 =	vperm.xlane v3, v2;
	v4 =	vadd.s32 v1, v4;
	_ =	sdelay $0x1  }
0xc3: {  	v3 =	vadd.s32 v1, v3;
	_ =	sdelay $0x1  }
0xc4: {  	s17 =	simm.s32 $0x10280  }
0xc5: {  	[tilespmem:s17], [sflag:$0x1] =	stream.indirect_vreg.gather [hbm4b:s1+s3], $0x80, v4, vm0, $0xb8;
	[tilespmem:$0x12280] =	vst v63  }
0xc6: {  	s17 =	simm.s32 $0x10A80  }
0xc7: {  	[tilespmem:s17], [sflag:$0x1] =	stream.indirect_vreg.gather [hbm4b:s1+s3], $0x80, v3, vm0, $0xb8;
	[tilespmem:$0x12280] =	vst v63  }
0xc8: {  	v3 =	vld [tilespmem:$0x110];
	_ =	sdelay $0x4  }
0xc9: {  	v45 =	vshll.u32 v3, $0x1  }
0xca: {  	v3 =	vand.u32 $0x7, v3;
	v4 =	vand.u32 $0xFFFFFFF0, v45  }
0xcb: {  	v3 =	vor.u32 v3, v4  }
0xcc: {  	v4 =	vperm.xlane v3, v0;
	_ =	sdelay $0x1  }
0xcd: {  	v3 =	vperm.xlane v3, v2;
	v4 =	vadd.s32 v1, v4;
	_ =	sdelay $0x1  }
0xce: {  	v3 =	vadd.s32 v1, v3;
	_ =	sdelay $0x1  }
0xcf: {  	s17 =	simm.s32 $0x11280  }
0xd0: {  	[tilespmem:s17], [sflag:$0x1] =	stream.indirect_vreg.gather [hbm4b:s1+s3], $0x80, v4, vm0, $0xb8;
	[tilespmem:$0x12280] =	vst v63  }
0xd1: {  	s17 =	simm.s32 $0x11A80  }
0xd2: {  	[tilespmem:s17], [sflag:$0x1] =	stream.indirect_vreg.gather [hbm4b:s1+s3], $0x80, v3, vm0, $0xb8;
	[tilespmem:$0x12280] =	vst v63  }
0xd3: {  	_ =	swait.ge [sflag:s16], $0x12000  }
0xd4: {  	[sflag:s16] =	ssyncset.done $0x0  }
0xd5: {  	s0 =	simm.s32 $0x280;
	s17 =	rddreg [dreg:$0x5];
	[sflag:s16] =	ssyncadd.s32 $0xFFFEE000  }
0xd6: {  	[hbm4b:s17+s3] =	stream.linear.scatter [tilespmem:s0], [sflag:$0x2], $0x12000, $0x38;
	[tilespmem:$0x12280] =	vst v63  }
0xd7: {  	_ =	swait.ge [sflag:s5], $0x12000  }
0xd8: {  	[sflag:s5] =	ssyncset.done $0x0  }
0xd9: {  	[sflag:s5] =	ssyncadd.s32 $0xFFFEE000  }
0xda: {  	v3 =	vld [tilespmem:$0x120];
	_ =	sdelay $0x4  }
0xdb: {  	v46 =	vshll.u32 v3, $0x1  }
0xdc: {  	v3 =	vand.u32 $0x7, v3;
	v4 =	vand.u32 $0xFFFFFFF0, v46  }
0xdd: {  	v3 =	vor.u32 v3, v4  }
0xde: {  	v4 =	vperm.xlane v3, v0;
	_ =	sdelay $0x1  }
0xdf: {  	v3 =	vperm.xlane v3, v2;
	v4 =	vadd.s32 v1, v4;
	_ =	sdelay $0x1  }
0xe0: {  	v3 =	vadd.s32 v1, v3;
	_ =	sdelay $0x2  }
0xe1: {  	[tilespmem:s0], [sflag:$0x1] =	stream.indirect_vreg.gather [hbm4b:s1+s3], $0x80, v4, vm0, $0xb8;
	[tilespmem:$0x12280] =	vst v63  }
0xe2: {  	_ = 	snop  }
0xe3: {  	[tilespmem:s18], [sflag:$0x1] =	stream.indirect_vreg.gather [hbm4b:s1+s3], $0x80, v3, vm0, $0xb8;
	[tilespmem:$0x12280] =	vst v63  }
0xe4: {  	v3 =	vld [tilespmem:$0x130];
	_ =	sdelay $0x4  }
0xe5: {  	v47 =	vshll.u32 v3, $0x1  }
0xe6: {  	v3 =	vand.u32 $0x7, v3;
	v4 =	vand.u32 $0xFFFFFFF0, v47  }
0xe7: {  	v3 =	vor.u32 v3, v4  }
0xe8: {  	v4 =	vperm.xlane v3, v0;
	_ =	sdelay $0x1  }
0xe9: {  	v3 =	vperm.xlane v3, v2;
	v4 =	vadd.s32 v1, v4;
	_ =	sdelay $0x1  }
0xea: {  	v3 =	vadd.s32 v1, v3;
	_ =	sdelay $0x2  }
0xeb: {  	[tilespmem:s19], [sflag:$0x1] =	stream.indirect_vreg.gather [hbm4b:s1+s3], $0x80, v4, vm0, $0xb8;
	[tilespmem:$0x12280] =	vst v63  }
0xec: {  	_ = 	snop  }
0xed: {  	[tilespmem:s20], [sflag:$0x1] =	stream.indirect_vreg.gather [hbm4b:s1+s3], $0x80, v3, vm0, $0xb8;
	[tilespmem:$0x12280] =	vst v63  }
0xee: {  	v3 =	vld [tilespmem:$0x140];
	_ =	sdelay $0x4  }
0xef: {  	v48 =	vshll.u32 v3, $0x1  }
0xf0: {  	v3 =	vand.u32 $0x7, v3;
	v4 =	vand.u32 $0xFFFFFFF0, v48  }
0xf1: {  	v3 =	vor.u32 v3, v4  }
0xf2: {  	v4 =	vperm.xlane v3, v0;
	_ =	sdelay $0x1  }
0xf3: {  	v3 =	vperm.xlane v3, v2;
	v4 =	vadd.s32 v1, v4;
	_ =	sdelay $0x1  }
0xf4: {  	v3 =	vadd.s32 v1, v3;
	_ =	sdelay $0x2  }
0xf5: {  	[tilespmem:s21], [sflag:$0x1] =	stream.indirect_vreg.gather [hbm4b:s1+s3], $0x80, v4, vm0, $0xb8;
	[tilespmem:$0x12280] =	vst v63  }
0xf6: {  	_ = 	snop  }
0xf7: {  	[tilespmem:s22], [sflag:$0x1] =	stream.indirect_vreg.gather [hbm4b:s1+s3], $0x80, v3, vm0, $0xb8;
	[tilespmem:$0x12280] =	vst v63  }
0xf8: {  	v3 =	vld [tilespmem:$0x150];
	_ =	sdelay $0x4  }
0xf9: {  	v49 =	vshll.u32 v3, $0x1  }
0xfa: {  	v3 =	vand.u32 $0x7, v3;
	v4 =	vand.u32 $0xFFFFFFF0, v49  }
0xfb: {  	v3 =	vor.u32 v3, v4  }
0xfc: {  	v4 =	vperm.xlane v3, v0;
	_ =	sdelay $0x1  }
0xfd: {  	v3 =	vperm.xlane v3, v2;
	v4 =	vadd.s32 v1, v4;
	_ =	sdelay $0x1  }
0xfe: {  	v3 =	vadd.s32 v1, v3;
	_ =	sdelay $0x2  }
0xff: {  	[tilespmem:s23], [sflag:$0x1] =	stream.indirect_vreg.gather [hbm4b:s1+s3], $0x80, v4, vm0, $0xb8;
	[tilespmem:$0x12280] =	vst v63  }
0x100: {  	_ = 	snop  }
0x101: {  	[tilespmem:s24], [sflag:$0x1] =	stream.indirect_vreg.gather [hbm4b:s1+s3], $0x80, v3, vm0, $0xb8;
	[tilespmem:$0x12280] =	vst v63  }
0x102: {  	v3 =	vld [tilespmem:$0x160];
	_ =	sdelay $0x4  }
0x103: {  	v50 =	vshll.u32 v3, $0x1  }
0x104: {  	v3 =	vand.u32 $0x7, v3;
	v4 =	vand.u32 $0xFFFFFFF0, v50  }
0x105: {  	v3 =	vor.u32 v3, v4  }
0x106: {  	v4 =	vperm.xlane v3, v0;
	_ =	sdelay $0x1  }
0x107: {  	v3 =	vperm.xlane v3, v2;
	v4 =	vadd.s32 v1, v4;
	_ =	sdelay $0x1  }
0x108: {  	v3 =	vadd.s32 v1, v3;
	_ =	sdelay $0x2  }
0x109: {  	[tilespmem:s25], [sflag:$0x1] =	stream.indirect_vreg.gather [hbm4b:s1+s3], $0x80, v4, vm0, $0xb8;
	[tilespmem:$0x12280] =	vst v63  }
0x10a: {  	_ = 	snop  }
0x10b: {  	[tilespmem:s26], [sflag:$0x1] =	stream.indirect_vreg.gather [hbm4b:s1+s3], $0x80, v3, vm0, $0xb8;
	[tilespmem:$0x12280] =	vst v63  }
0x10c: {  	v3 =	vld [tilespmem:$0x170];
	_ =	sdelay $0x4  }
0x10d: {  	v51 =	vshll.u32 v3, $0x1  }
0x10e: {  	v3 =	vand.u32 $0x7, v3;
	v4 =	vand.u32 $0xFFFFFFF0, v51  }
0x10f: {  	v3 =	vor.u32 v3, v4  }
0x110: {  	v4 =	vperm.xlane v3, v0;
	_ =	sdelay $0x1  }
0x111: {  	v3 =	vperm.xlane v3, v2;
	v4 =	vadd.s32 v1, v4;
	_ =	sdelay $0x1  }
0x112: {  	v3 =	vadd.s32 v1, v3;
	_ =	sdelay $0x2  }
0x113: {  	[tilespmem:s28], [sflag:$0x1] =	stream.indirect_vreg.gather [hbm4b:s1+s3], $0x80, v4, vm0, $0xb8;
	[tilespmem:$0x12280] =	vst v63  }
0x114: {  	_ = 	snop  }
0x115: {  	[tilespmem:s29], [sflag:$0x1] =	stream.indirect_vreg.gather [hbm4b:s1+s3], $0x80, v3, vm0, $0xb8;
	[tilespmem:$0x12280] =	vst v63  }
0x116: {  	v3 =	vld [tilespmem:$0x180];
	_ =	sdelay $0x4  }
0x117: {  	v52 =	vshll.u32 v3, $0x1  }
0x118: {  	v3 =	vand.u32 $0x7, v3;
	v4 =	vand.u32 $0xFFFFFFF0, v52  }
0x119: {  	v3 =	vor.u32 v3, v4  }
0x11a: {  	v4 =	vperm.xlane v3, v0;
	_ =	sdelay $0x1  }
0x11b: {  	v3 =	vperm.xlane v3, v2;
	v4 =	vadd.s32 v1, v4;
	_ =	sdelay $0x1  }
0x11c: {  	v3 =	vadd.s32 v1, v3;
	_ =	sdelay $0x2  }
0x11d: {  	[tilespmem:s30], [sflag:$0x1] =	stream.indirect_vreg.gather [hbm4b:s1+s3], $0x80, v4, vm0, $0xb8;
	[tilespmem:$0x12280] =	vst v63  }
0x11e: {  	_ = 	snop  }
0x11f: {  	[tilespmem:s31], [sflag:$0x1] =	stream.indirect_vreg.gather [hbm4b:s1+s3], $0x80, v3, vm0, $0xb8;
	[tilespmem:$0x12280] =	vst v63  }
0x120: {  	v3 =	vld [tilespmem:$0x190];
	_ =	sdelay $0x4  }
0x121: {  	v53 =	vshll.u32 v3, $0x1  }
0x122: {  	v3 =	vand.u32 $0x7, v3;
	v4 =	vand.u32 $0xFFFFFFF0, v53  }
0x123: {  	v3 =	vor.u32 v3, v4  }
0x124: {  	v4 =	vperm.xlane v3, v0;
	_ =	sdelay $0x1  }
0x125: {  	v3 =	vperm.xlane v3, v2;
	v4 =	vadd.s32 v1, v4;
	_ =	sdelay $0x1  }
0x126: {  	v3 =	vadd.s32 v1, v3;
	_ =	sdelay $0x2  }
0x127: {  	[tilespmem:s2], [sflag:$0x1] =	stream.indirect_vreg.gather [hbm4b:s1+s3], $0x80, v4, vm0, $0xb8;
	[tilespmem:$0x12280] =	vst v63  }
0x128: {  	s17 =	simm.s32 $0x7A80  }
0x129: {  	[tilespmem:s17], [sflag:$0x1] =	stream.indirect_vreg.gather [hbm4b:s1+s3], $0x80, v3, vm0, $0xb8;
	[tilespmem:$0x12280] =	vst v63  }
0x12a: {  	v3 =	vld [tilespmem:$0x1A0];
	_ =	sdelay $0x4  }
0x12b: {  	v54 =	vshll.u32 v3, $0x1  }
0x12c: {  	v3 =	vand.u32 $0x7, v3;
	v4 =	vand.u32 $0xFFFFFFF0, v54  }
0x12d: {  	v3 =	vor.u32 v3, v4  }
0x12e: {  	v4 =	vperm.xlane v3, v0;
	_ =	sdelay $0x1  }
0x12f: {  	v3 =	vperm.xlane v3, v2;
	v4 =	vadd.s32 v1, v4;
	_ =	sdelay $0x1  }
0x130: {  	v3 =	vadd.s32 v1, v3;
	_ =	sdelay $0x2  }
0x131: {  	[tilespmem:s7], [sflag:$0x1] =	stream.indirect_vreg.gather [hbm4b:s1+s3], $0x80, v4, vm0, $0xb8;
	[tilespmem:$0x12280] =	vst v63  }
0x132: {  	_ = 	snop  }
0x133: {  	[tilespmem:s8], [sflag:$0x1] =	stream.indirect_vreg.gather [hbm4b:s1+s3], $0x80, v3, vm0, $0xb8;
	[tilespmem:$0x12280] =	vst v63  }
0x134: {  	v3 =	vld [tilespmem:$0x1B0];
	_ =	sdelay $0x4  }
0x135: {  	v55 =	vshll.u32 v3, $0x1  }
0x136: {  	v3 =	vand.u32 $0x7, v3;
	v4 =	vand.u32 $0xFFFFFFF0, v55  }
0x137: {  	v3 =	vor.u32 v3, v4  }
0x138: {  	v4 =	vperm.xlane v3, v0;
	_ =	sdelay $0x1  }
0x139: {  	v3 =	vperm.xlane v3, v2;
	v4 =	vadd.s32 v1, v4;
	_ =	sdelay $0x1  }
0x13a: {  	v3 =	vadd.s32 v1, v3;
	_ =	sdelay $0x2  }
0x13b: {  	[tilespmem:s9], [sflag:$0x1] =	stream.indirect_vreg.gather [hbm4b:s1+s3], $0x80, v4, vm0, $0xb8;
	[tilespmem:$0x12280] =	vst v63  }
0x13c: {  	_ = 	snop  }
0x13d: {  	[tilespmem:s10], [sflag:$0x1] =	stream.indirect_vreg.gather [hbm4b:s1+s3], $0x80, v3, vm0, $0xb8;
	[tilespmem:$0x12280] =	vst v63  }
0x13e: {  	v3 =	vld [tilespmem:$0x1C0];
	_ =	sdelay $0x4  }
0x13f: {  	v56 =	vshll.u32 v3, $0x1  }
0x140: {  	v3 =	vand.u32 $0x7, v3;
	v4 =	vand.u32 $0xFFFFFFF0, v56  }
0x141: {  	v3 =	vor.u32 v3, v4  }
0x142: {  	v4 =	vperm.xlane v3, v0;
	_ =	sdelay $0x1  }
0x143: {  	v3 =	vperm.xlane v3, v2;
	v4 =	vadd.s32 v1, v4;
	_ =	sdelay $0x1  }
0x144: {  	v3 =	vadd.s32 v1, v3;
	_ =	sdelay $0x2  }
0x145: {  	[tilespmem:s11], [sflag:$0x1] =	stream.indirect_vreg.gather [hbm4b:s1+s3], $0x80, v4, vm0, $0xb8;
	[tilespmem:$0x12280] =	vst v63  }
0x146: {  	_ = 	snop  }
0x147: {  	[tilespmem:s12], [sflag:$0x1] =	stream.indirect_vreg.gather [hbm4b:s1+s3], $0x80, v3, vm0, $0xb8;
	[tilespmem:$0x12280] =	vst v63  }
0x148: {  	v3 =	vld [tilespmem:$0x1D0];
	_ =	sdelay $0x4  }
0x149: {  	v57 =	vshll.u32 v3, $0x1  }
0x14a: {  	v3 =	vand.u32 $0x7, v3;
	v4 =	vand.u32 $0xFFFFFFF0, v57  }
0x14b: {  	v3 =	vor.u32 v3, v4  }
0x14c: {  	v4 =	vperm.xlane v3, v0;
	_ =	sdelay $0x1  }
0x14d: {  	v3 =	vperm.xlane v3, v2;
	v4 =	vadd.s32 v1, v4;
	_ =	sdelay $0x1  }
0x14e: {  	v3 =	vadd.s32 v1, v3;
	_ =	sdelay $0x2  }
0x14f: {  	[tilespmem:s13], [sflag:$0x1] =	stream.indirect_vreg.gather [hbm4b:s1+s3], $0x80, v4, vm0, $0xb8;
	[tilespmem:$0x12280] =	vst v63  }
0x150: {  	_ = 	snop  }
0x151: {  	[tilespmem:s14], [sflag:$0x1] =	stream.indirect_vreg.gather [hbm4b:s1+s3], $0x80, v3, vm0, $0xb8;
	[tilespmem:$0x12280] =	vst v63  }
0x152: {  	v3 =	vld [tilespmem:$0x1E0];
	_ =	sdelay $0x4  }
0x153: {  	v58 =	vshll.u32 v3, $0x1  }
0x154: {  	v3 =	vand.u32 $0x7, v3;
	v4 =	vand.u32 $0xFFFFFFF0, v58  }
0x155: {  	v3 =	vor.u32 v3, v4  }
0x156: {  	v4 =	vperm.xlane v3, v0;
	_ =	sdelay $0x1  }
0x157: {  	v3 =	vperm.xlane v3, v2;
	v4 =	vadd.s32 v1, v4;
	_ =	sdelay $0x1  }
0x158: {  	v3 =	vadd.s32 v1, v3;
	_ =	sdelay $0x2  }
0x159: {  	[tilespmem:s15], [sflag:$0x1] =	stream.indirect_vreg.gather [hbm4b:s1+s3], $0x80, v4, vm0, $0xb8;
	[tilespmem:$0x12280] =	vst v63  }
0x15a: {  	_ = 	snop  }
0x15b: {  	[tilespmem:s6], [sflag:$0x1] =	stream.indirect_vreg.gather [hbm4b:s1+s3], $0x80, v3, vm0, $0xb8;
	[tilespmem:$0x12280] =	vst v63  }
0x15c: {  	v3 =	vld [tilespmem:$0x1F0];
	_ =	sdelay $0x4  }
0x15d: {  	v59 =	vshll.u32 v3, $0x1  }
0x15e: {  	v3 =	vand.u32 $0x7, v3;
	v4 =	vand.u32 $0xFFFFFFF0, v59  }
0x15f: {  	v3 =	vor.u32 v3, v4  }
0x160: {  	v4 =	vperm.xlane v3, v0;
	_ =	sdelay $0x1  }
0x161: {  	v3 =	vperm.xlane v3, v2;
	v4 =	vadd.s32 v1, v4;
	_ =	sdelay $0x1  }
0x162: {  	v3 =	vadd.s32 v1, v3;
	_ =	sdelay $0x1  }
0x163: {  	s17 =	simm.s32 $0xD280  }
0x164: {  	[tilespmem:s17], [sflag:$0x1] =	stream.indirect_vreg.gather [hbm4b:s1+s3], $0x80, v4, vm0, $0xb8;
	[tilespmem:$0x12280] =	vst v63  }
0x165: {  	s17 =	simm.s32 $0xDA80  }
0x166: {  	[tilespmem:s17], [sflag:$0x1] =	stream.indirect_vreg.gather [hbm4b:s1+s3], $0x80, v3, vm0, $0xb8;
	[tilespmem:$0x12280] =	vst v63  }
0x167: {  	v3 =	vld [tilespmem:$0x200];
	_ =	sdelay $0x4  }
0x168: {  	v60 =	vshll.u32 v3, $0x1  }
0x169: {  	v3 =	vand.u32 $0x7, v3;
	v4 =	vand.u32 $0xFFFFFFF0, v60  }
0x16a: {  	v3 =	vor.u32 v3, v4  }
0x16b: {  	v4 =	vperm.xlane v3, v0;
	_ =	sdelay $0x1  }
0x16c: {  	v3 =	vperm.xlane v3, v2;
	v4 =	vadd.s32 v1, v4;
	_ =	sdelay $0x1  }
0x16d: {  	v3 =	vadd.s32 v1, v3;
	_ =	sdelay $0x1  }
0x16e: {  	s17 =	simm.s32 $0xE280  }
0x16f: {  	[tilespmem:s17], [sflag:$0x1] =	stream.indirect_vreg.gather [hbm4b:s1+s3], $0x80, v4, vm0, $0xb8;
	[tilespmem:$0x12280] =	vst v63  }
0x170: {  	s17 =	simm.s32 $0xEA80  }
0x171: {  	[tilespmem:s17], [sflag:$0x1] =	stream.indirect_vreg.gather [hbm4b:s1+s3], $0x80, v3, vm0, $0xb8;
	[tilespmem:$0x12280] =	vst v63  }
0x172: {  	v3 =	vld [tilespmem:$0x210];
	_ =	sdelay $0x4  }
0x173: {  	v61 =	vshll.u32 v3, $0x1  }
0x174: {  	v3 =	vand.u32 $0x7, v3;
	v4 =	vand.u32 $0xFFFFFFF0, v61  }
0x175: {  	v3 =	vor.u32 v3, v4  }
0x176: {  	v4 =	vperm.xlane v3, v0;
	_ =	sdelay $0x1  }
0x177: {  	v3 =	vperm.xlane v3, v2;
	v4 =	vadd.s32 v1, v4;
	_ =	sdelay $0x1  }
0x178: {  	v3 =	vadd.s32 v1, v3;
	_ =	sdelay $0x1  }
0x179: {  	s17 =	simm.s32 $0xF280  }
0x17a: {  	[tilespmem:s17], [sflag:$0x1] =	stream.indirect_vreg.gather [hbm4b:s1+s3], $0x80, v4, vm0, $0xb8;
	[tilespmem:$0x12280] =	vst v63  }
0x17b: {  	s17 =	simm.s32 $0xFA80  }
0x17c: {  	[tilespmem:s17], [sflag:$0x1] =	stream.indirect_vreg.gather [hbm4b:s1+s3], $0x80, v3, vm0, $0xb8;
	[tilespmem:$0x12280] =	vst v63  }
0x17d: {  	v3 =	vld [tilespmem:$0x220];
	_ =	sdelay $0x4  }
0x17e: {  	v62 =	vshll.u32 v3, $0x1  }
0x17f: {  	v3 =	vand.u32 $0x7, v3;
	v4 =	vand.u32 $0xFFFFFFF0, v62  }
0x180: {  	v3 =	vor.u32 v3, v4  }
0x181: {  	v4 =	vperm.xlane v3, v0;
	_ =	sdelay $0x1  }
0x182: {  	v3 =	vperm.xlane v3, v2;
	v4 =	vadd.s32 v1, v4;
	_ =	sdelay $0x1  }
0x183: {  	v3 =	vadd.s32 v1, v3;
	_ =	sdelay $0x1  }
0x184: {  	s17 =	simm.s32 $0x10280  }
0x185: {  	[tilespmem:s17], [sflag:$0x1] =	stream.indirect_vreg.gather [hbm4b:s1+s3], $0x80, v4, vm0, $0xb8;
	[tilespmem:$0x12280] =	vst v63  }
0x186: {  	s17 =	simm.s32 $0x10A80  }
0x187: {  	[tilespmem:s17], [sflag:$0x1] =	stream.indirect_vreg.gather [hbm4b:s1+s3], $0x80, v3, vm0, $0xb8;
	[tilespmem:$0x12280] =	vst v63  }
0x188: {  	v3 =	vld [tilespmem:$0x230];
	_ =	sdelay $0x4  }
0x189: {  	v63 =	vshll.u32 v3, $0x1  }
0x18a: {  	v3 =	vand.u32 $0x7, v3;
	v4 =	vand.u32 $0xFFFFFFF0, v63  }
0x18b: {  	v3 =	vor.u32 v3, v4  }
0x18c: {  	v4 =	vperm.xlane v3, v0;
	_ =	sdelay $0x1  }
0x18d: {  	v3 =	vperm.xlane v3, v2;
	v4 =	vadd.s32 v1, v4;
	_ =	sdelay $0x1  }
0x18e: {  	v3 =	vadd.s32 v1, v3;
	_ =	sdelay $0x1  }
0x18f: {  	s17 =	simm.s32 $0x11280  }
0x190: {  	[tilespmem:s17], [sflag:$0x1] =	stream.indirect_vreg.gather [hbm4b:s1+s3], $0x80, v4, vm0, $0xb8;
	[tilespmem:$0x12280] =	vst v63  }
0x191: {  	s17 =	simm.s32 $0x11A80  }
0x192: {  	[tilespmem:s17], [sflag:$0x1] =	stream.indirect_vreg.gather [hbm4b:s1+s3], $0x80, v3, vm0, $0xb8;
	[tilespmem:$0x12280] =	vst v63  }
0x193: {  	_ =	swait.ge [sflag:s16], $0x12000  }
0x194: {  	p0 =	sne.s32 s4, $0x1;
	s0 =	simm.s32 $0x280;
	[sflag:s16] =	ssyncset.done $0x0  }
.Ltmp0:
0x195: {  	s17 =	rddreg [dreg:$0x6];
	[sflag:s16] =	ssyncadd.s32 $0xFFFEE000;
	(pc) =	sbr.rel @p0 .LBB2_1-.Ltmp0, $4  }
0x196: {  	[hbm4b:s17+s3] =	stream.linear.scatter [tilespmem:s0], [sflag:$0x2], $0x12000, $0x38;
	[tilespmem:$0x12280] =	vst v63  }
0x197: {  	_ =	swait.ge [sflag:s5], $0x12000  }
0x198: {  	[sflag:s5] =	ssyncset.done $0x0  }
0x199: {  	s4 =	sadd.s32 $0xFFFFFFFF, s4;
	[sflag:s5] =	ssyncadd.s32 $0xFFFEE000  }
0x19a: {  	_ =	sfence.sel $0x180000  }
0x19b: {  	[bflag:$0x0] =	sbarrier.arrive $0xFFFF  }
0x19c: {  	_ =	strace $0x90000047  }
0x19d: {  	s0 =	stileid.u32;
	[bflag:$0x2] =	sbarrier.arrive $0xFFFF  }
0x19e: {  	p0 =	sne.s32 s0, $0x0;
	s0 =	rddreg [dreg:$0x3]  }
0x19f: {  	s0 =	sadd.s32 @!p0 $0x100000, s0  }
0x1a0: {  	[sflag:s0] =	ssyncadd.tile.s32 @!p0 $0x1;
	_ =	shalt  }
.Lfunc_end2:
_tile_overlayer_lowered:
.L_overlay_start_2:
0x1a1: {  	(tag) =	ssettag $0x2  }
0x1a2: {  	s0 =	rddreg [dreg:$0x0];
	s2 =	stileid.u32  }
0x1a3: {  	s1 =	rddreg [dreg:$0x1];
	p0 =	sne.s32 s2, $0x0  }
0x1a4: {  	s3 =	rddreg [dreg:$0x2];
	[bflag:$0x3] =	sbarrier.arrive $0xFFFF;
	s2 =	simm.s32 @!p0 $0x1C02  }
0x1a5: {  	[timem:s3], [sflag:s2] =	dma.local @!p0 [hbm:s0], s1  }
0x1a6: {  	s0 =	simm.s32 @!p0 $0x2  }
0x1a7: {  	_ =	swait.ge @!p0 [sflag:s0], s1  }
0x1a8: {  	s1 =	ssub.s32 @!p0 $0x0, s1;
	[sflag:s0] =	ssyncset.done @!p0 $0x0  }
0x1a9: {  	[sflag:s0] =	ssyncadd.s32 @!p0 s1  }
0x1aa: {  	[bflag:$0x3] =	sbarrier.arrive $0xFFFF  }
0x1ab: {  	_ =	shalt  }

</sc_bundles>
